<compile_context>
chip_gen: v7x
topology: tpu7x:2x2x1
jax: 0.10.2.dev20260603
libtpu: 0.0.44.dev20260713+nightly
codegen_flags: <defaults>
</compile_context>

<pallas_src>
import functools
import jax
import jax.numpy as jnp
from jax import lax
from jax.experimental import pallas as pl
from jax.experimental.pallas import tpu as pltpu, tpu_sc as plsc

_B = 32
_V = 1000000
_CHUNK = 20000
_NCHUNK = _V // _CHUNK
_NVEC = _CHUNK // 16
_UN = 10
_LO = -16.0
_S1 = 256.0
_NB1 = 8192
_S2 = 1048576.0
_NB2 = 4096
_TOP_P = 0.9

_mesh = plsc.VectorSubcoreMesh(core_axis_name="c", subcore_axis_name="s")


def _suffix_search(h_ref, nvec, target):
    io = lax.iota(jnp.int32, 16)

    def step(jj, carry):
        cs, found, kstar, s_at, h_at = carry
        j = nvec - 1 - jj
        v = h_ref[pl.ds(j * 16, 16)]
        w = lax.rev(plsc.cumsum(lax.rev(v, (0,))), (0,))
        s = w + cs
        mask = s > target
        cnt = jnp.max(plsc.all_reduce_population_count(mask))
        has = (cnt > 0).astype(jnp.int32)
        i0 = cnt - 1
        pick = io == i0
        sv = jnp.sum(jnp.where(pick, s, 0.0))
        hv = jnp.sum(jnp.where(pick, v, 0.0))
        take = (has == 1) & (found == 0)
        return (jnp.max(s),
                found | has,
                jnp.where(take, j * 16 + i0, kstar),
                jnp.where(take, sv, s_at),
                jnp.where(take, hv, h_at))

    init = (jnp.float32(0.0), jnp.int32(0), jnp.int32(0),
            jnp.float32(0.0), jnp.float32(0.0))
    _, _, kstar, s_at, h_at = lax.fori_loop(0, nvec, step, init)
    return kstar, s_at, h_at


@functools.partial(
    pl.kernel, mesh=_mesh,
    out_type=jax.ShapeDtypeStruct((_B * _V,), jnp.float32),
    scratch_types=[
        pltpu.VMEM((_CHUNK,), jnp.float32),
        pltpu.VMEM((_CHUNK,), jnp.float32),
        pltpu.VMEM((_CHUNK,), jnp.float32),
        pltpu.VMEM((_CHUNK,), jnp.float32),
        pltpu.VMEM((_NB1,), jnp.float32),
        pltpu.VMEM((_NB2,), jnp.float32),
        pltpu.SemaphoreType.DMA,
        pltpu.SemaphoreType.DMA,
        pltpu.SemaphoreType.DMA,
        pltpu.SemaphoreType.DMA,
    ],
    compiler_params=pltpu.CompilerParams(needs_layout_passes=False),
)
def _sc_topp(x_hbm, out_hbm, in_a, in_b, out_a, out_b, h1, h2,
             sem_a, sem_b, osem_a, osem_b):
    wid = lax.axis_index("s") * 2 + lax.axis_index("c")
    base = wid * _V
    zero16 = jnp.zeros((16,), jnp.float32)

    def _in_slice(c):
        return x_hbm.at[pl.ds(base + c * _CHUNK, _CHUNK)]

    def _start_in(c, buf, sem):
        pltpu.async_copy(_in_slice(c), buf, sem)

    def _wait_in(buf, sem):
        pltpu.make_async_copy(_in_slice(0), buf, sem).wait()

    def _pipe(body, carry0):
        _start_in(0, in_a, sem_a)

        def pair(cp, carry):
            c0 = cp * 2
            _start_in(c0 + 1, in_b, sem_b)
            _wait_in(in_a, sem_a)
            carry = body(in_a, 0, c0, carry)

            @pl.when(c0 + 2 < _NCHUNK)
            def _():
                _start_in(c0 + 2, in_a, sem_a)

            _wait_in(in_b, sem_b)
            return body(in_b, 1, c0 + 1, carry)

        return lax.fori_loop(0, _NCHUNK // 2, pair, carry0)

    def z1(j, _):
        h1[pl.ds(j * 16, 16)] = zero16
        return 0

    lax.fori_loop(0, _NB1 // 16, z1, 0)

    def z2(j, _):
        h2[pl.ds(j * 16, 16)] = zero16
        return 0

    lax.fori_loop(0, _NB2 // 16, z2, 0)

    def body1(buf, parity, c, zacc):
        def vstep(i, za):
            l = buf[pl.ds(i, 16)]
            e = jnp.exp(l)
            b = jnp.clip((l - _LO) * _S1, 0.0, _NB1 - 1).astype(jnp.int32)
            plsc.addupdate_scatter(h1, [b], e)
            return za + e

        return plsc.parallel_loop(0, _CHUNK, 16, unroll=_UN, carry=zacc)(vstep)

    zacc = _pipe(body1, zero16)
    z = jnp.sum(zacc)
    target = jnp.float32(_TOP_P) * z

    bstar, s_at, h_at = _suffix_search(h1, _NB1 // 16, target)
    s_hi = s_at - h_at
    edge = _LO + bstar.astype(jnp.float32) * jnp.float32(1.0 / _S1)

    def body2(buf, parity, c, carry):
        def vstep(i):
            l = buf[pl.ds(i, 16)]
            e = jnp.exp(l)
            b = jnp.clip((l - _LO) * _S1, 0.0, _NB1 - 1).astype(jnp.int32)
            sub = jnp.clip((l - edge) * _S2, 0.0, _NB2 - 1).astype(jnp.int32)
            plsc.addupdate_scatter(h2, [sub], e, mask=b == bstar)

        plsc.parallel_loop(0, _CHUNK, 16, unroll=_UN)(vstep)
        return carry

    _pipe(body2, jnp.int32(0))

    k2, s2_at, _ = _suffix_search(h2, _NB2 // 16, target - s_hi)
    inv = (zero16 + jnp.float32(1.0)) / (zero16 + (s_hi + s2_at))

    def _out_slice(c):
        return out_hbm.at[pl.ds(base + c * _CHUNK, _CHUNK)]

    def body3(buf, parity, c, carry):
        obuf = out_a if parity == 0 else out_b
        osem = osem_a if parity == 0 else osem_b

        @pl.when(c >= 2)
        def _():
            pltpu.make_async_copy(_in_slice(0), obuf, osem).wait()

        def vstep(i):
            sl = pl.ds(i, 16)
            l = buf[sl]
            e = jnp.exp(l)
            b = jnp.clip((l - _LO) * _S1, 0.0, _NB1 - 1).astype(jnp.int32)
            sub = jnp.clip((l - edge) * _S2, 0.0, _NB2 - 1).astype(jnp.int32)
            keep = (b > bstar) | ((b == bstar) & (sub >= k2))
            obuf[sl] = jnp.where(keep, e * inv, 0.0)

        plsc.parallel_loop(0, _CHUNK, 16, unroll=_UN)(vstep)
        pltpu.async_copy(obuf, _out_slice(c), osem)
        return carry

    _pipe(body3, jnp.int32(0))
    pltpu.make_async_copy(_in_slice(0), out_a, osem_a).wait()
    pltpu.make_async_copy(_in_slice(0), out_b, osem_b).wait()


def kernel(logits):
    b, v = logits.shape
    assert b == _B and v == _V
    out = _sc_topp(logits.reshape(-1))
    return out.reshape(b, v)

# --- scband reference (transcript-rebuilt; emitter-appended) ---
"""Pipeline reference for scband-lmbase-29257317220690 (READ-ONLY COPY).

The authoritative reference and input builder live on the scoring server;
editing this copy changes nothing except your own understanding.
"""

import jax, jax.numpy as jnp
import numpy as np

B, V = 32, 1000000
TEMPERATURE = 1.0
TOP_P = 0.9
NEG = -1e9  # stands in for float('-inf') in torch masked_fill; avoids -inf NaN hazards in grads


def setup_inputs(seed: int = 0) -> dict:
    key = jax.random.key(seed)
    logits = jax.random.normal(key, (B, V), dtype=jnp.float32)
    return {"logits": logits}


def _top_p_filter(logits):
    # Mirrors one sampling step of LMBase.generate (top-p / nucleus filtering):
    #   logits = logits / temperature
    #   sorted_logits, sorted_indices = sort(logits, descending=True)
    #   cumulative_probs = cumsum(softmax(sorted_logits))
    #   mask = cumulative_probs > top_p, shifted right by one so the top token is kept
    #   scatter masked (filtered) sorted logits back to original positions
    #   probs = softmax(filtered_logits)
    l = logits / TEMPERATURE
    sorted_indices = jnp.argsort(-l, axis=-1)                      # descending order
    sorted_logits = jnp.take_along_axis(l, sorted_indices, axis=-1)
    cumulative_probs = jnp.cumsum(jax.nn.softmax(sorted_logits, axis=-1), axis=-1)
    sorted_mask = cumulative_probs > TOP_P
    # shift mask right: sorted_mask[..., 1:] = sorted_mask[..., :-1]; sorted_mask[..., 0] = 0
    sorted_mask = jnp.concatenate(
        [jnp.zeros_like(sorted_mask[..., :1]), sorted_mask[..., :-1]], axis=-1
    )
    filtered_sorted = jnp.where(sorted_mask, NEG, sorted_logits)
    rows = jnp.arange(l.shape[0])[:, None]
    # scatter-overwrite back into original vocab positions
    filtered_logits = jnp.zeros_like(l).at[rows, sorted_indices].set(filtered_sorted)
    probs = jax.nn.softmax(filtered_logits, axis=-1)
    return probs


def reference(logits):
    return _top_p_filter(logits)

if __name__ == "__main__":
    import jax
    _d = setup_inputs()
    print(jax.jit(kernel)(*tuple(_d.values())))

</pallas_src>

<mosaic_0001>
#map = affine_map<(d0, d1) -> (0)>
module attributes {stable_mosaic.version = 14 : i64} {
  func.func @_sc_topp(%arg0: i32, %arg1: i32, %arg2: memref<32000000xf32, #tpu.memory_space<hbm>>, %arg3: memref<32000000xf32, #tpu.memory_space<hbm>>, %arg4: memref<20000xf32, #tpu.memory_space<vmem>>, %arg5: memref<20000xf32, #tpu.memory_space<vmem>>, %arg6: memref<20000xf32, #tpu.memory_space<vmem>>, %arg7: memref<20000xf32, #tpu.memory_space<vmem>>, %arg8: memref<8192xf32, #tpu.memory_space<vmem>>, %arg9: memref<4096xf32, #tpu.memory_space<vmem>>, %arg10: memref<!tpu.dma_semaphore, #tpu.memory_space<semaphore_mem>>, %arg11: memref<!tpu.dma_semaphore, #tpu.memory_space<semaphore_mem>>, %arg12: memref<!tpu.dma_semaphore, #tpu.memory_space<semaphore_mem>>, %arg13: memref<!tpu.dma_semaphore, #tpu.memory_space<semaphore_mem>>) attributes {dimension_semantics = [#tpu.dimension_semantics<core_parallel>, #tpu.dimension_semantics<subcore_parallel>], iteration_bounds = array<i64: 2, 16>, scalar_prefetch = 0 : i64, scratch_operands = 10 : i64, tpu.core_type = #tpu.core_type<sc_vector_subcore>, window_params = [{transform_indices = #map}, {transform_indices = #map}]} {
    %mul3A = arith.constant 2 : i32
    %mul3A_0 = arith.muli %arg1, %mul3A : i32
    %add3A = arith.addi %mul3A_0, %arg0 : i32
    %mul3A_1 = arith.constant 1000000 : i32
    %mul3A_2 = arith.muli %add3A, %mul3A_1 : i32
    %broadcast_in_dim3A = arith.constant 0.000000e+00 : f32
    %broadcast_in_dim3A_3 = vector.broadcast %broadcast_in_dim3A : f32 to vector<16xf32>
    %scan3A = arith.constant 0 : i32
    %scan3A_4 = arith.constant 0 : i32
    %scan3A_5 = arith.constant 512 : i32
    %scan3A_6 = arith.addi %scan3A_4, %scan3A_5 : i32
    %scan3A_7 = arith.constant 1 : i32
    %scan3A_8 = scf.for %scan3A_92 = %scan3A_4 to %scan3A_6 step %scan3A_7 iter_args(%scan3A_93 = %scan3A) -> (i32)  : i32 {
      %mul3A_94 = arith.constant 16 : i32
      %mul3A_95 = arith.muli %scan3A_92, %mul3A_94 : i32
      %swap3A = arith.index_cast %mul3A_95 : i32 to index
      %swap3A_96 = tpu.vector_load %arg8[%swap3A] {strides = array<i32>} : memref<8192xf32, #tpu.memory_space<vmem>>, vector<16xf32>,
      tpu.vector_store %arg8[%swap3A], %broadcast_in_dim3A_3 {strides = array<i32>} : memref<8192xf32, #tpu.memory_space<vmem>>, vector<16xf32>,
      %scan3A_97 = arith.constant 0 : i32
      scf.yield %scan3A_97 : i32
    }
    %scan3A_9 = arith.constant 512 : i32
    %scan3A_10 = arith.constant 0 : i32
    %scan3A_11 = arith.constant 0 : i32
    %scan3A_12 = arith.constant 256 : i32
    %scan3A_13 = arith.addi %scan3A_11, %scan3A_12 : i32
    %scan3A_14 = arith.constant 1 : i32
    %scan3A_15 = scf.for %scan3A_92 = %scan3A_11 to %scan3A_13 step %scan3A_14 iter_args(%scan3A_93 = %scan3A_10) -> (i32)  : i32 {
      %mul3A_94 = arith.constant 16 : i32
      %mul3A_95 = arith.muli %scan3A_92, %mul3A_94 : i32
      %swap3A = arith.index_cast %mul3A_95 : i32 to index
      %swap3A_96 = tpu.vector_load %arg9[%swap3A] {strides = array<i32>} : memref<4096xf32, #tpu.memory_space<vmem>>, vector<16xf32>,
      tpu.vector_store %arg9[%swap3A], %broadcast_in_dim3A_3 {strides = array<i32>} : memref<4096xf32, #tpu.memory_space<vmem>>, vector<16xf32>,
      %scan3A_97 = arith.constant 0 : i32
      scf.yield %scan3A_97 : i32
    }
    %scan3A_16 = arith.constant 256 : i32
    %add3A_17 = arith.constant 0 : i32
    %add3A_18 = arith.addi %mul3A_2, %add3A_17 : i32
    %dma_start3A = tpu.memref_slice %arg2[%add3A_18] : memref<32000000xf32, #tpu.memory_space<hbm>> -> memref<20000xf32, #tpu.memory_space<hbm>>
    %dma_start3A_19 = tpu.memref_slice %arg2[%add3A_18] : memref<32000000xf32, #tpu.memory_space<hbm>> -> memref<20000xf32, #tpu.memory_space<hbm>>
    tpu.enqueue_dma source(%dma_start3A_19 : memref<20000xf32, #tpu.memory_space<hbm>>) target(%arg4 : memref<20000xf32, #tpu.memory_space<vmem>>) target_semaphore(%arg10 : memref<!tpu.dma_semaphore, #tpu.memory_space<semaphore_mem>>)
    %scan3A_20 = arith.constant 0 : i32
    %scan3A_21 = arith.constant 25 : i32
    %scan3A_22 = arith.addi %scan3A_20, %scan3A_21 : i32
    %scan3A_23 = arith.constant 1 : i32
    %scan3A_24 = scf.for %scan3A_92 = %scan3A_20 to %scan3A_22 step %scan3A_23 iter_args(%scan3A_93 = %broadcast_in_dim3A_3) -> (vector<16xf32>)  : i32 {
      %mul3A_94 = arith.constant 2 : i32
      %mul3A_95 = arith.muli %scan3A_92, %mul3A_94 : i32
      %add3A_96 = arith.constant 1 : i32
      %add3A_97 = arith.addi %mul3A_95, %add3A_96 : i32
      %mul3A_98 = arith.constant 20000 : i32
      %mul3A_99 = arith.muli %add3A_97, %mul3A_98 : i32
      %add3A_100 = arith.addi %mul3A_2, %mul3A_99 : i32
      %dma_start3A_101 = tpu.memref_slice %arg2[%add3A_100] : memref<32000000xf32, #tpu.memory_space<hbm>> -> memref<20000xf32, #tpu.memory_space<hbm>>
      %dma_start3A_102 = tpu.memref_slice %arg2[%add3A_100] : memref<32000000xf32, #tpu.memory_space<hbm>> -> memref<20000xf32, #tpu.memory_space<hbm>>
      tpu.enqueue_dma source(%dma_start3A_102 : memref<20000xf32, #tpu.memory_space<hbm>>) target(%arg5 : memref<20000xf32, #tpu.memory_space<vmem>>) target_semaphore(%arg11 : memref<!tpu.dma_semaphore, #tpu.memory_space<semaphore_mem>>)
      %add3A_103 = arith.constant 0 : i32
      %add3A_104 = arith.addi %mul3A_2, %add3A_103 : i32
      %dma_wait3A_105 = tpu.memref_slice %arg2[%add3A_104] : memref<32000000xf32, #tpu.memory_space<hbm>> -> memref<20000xf32, #tpu.memory_space<hbm>>
      %dma_wait3A_106 = tpu.memref_slice %arg2[%add3A_104] : memref<32000000xf32, #tpu.memory_space<hbm>> -> memref<20000xf32, #tpu.memory_space<hbm>>
      tpu.wait_dma2 semaphore(%arg10 : memref<!tpu.dma_semaphore, #tpu.memory_space<semaphore_mem>>) src(%dma_wait3A_106 : memref<20000xf32, #tpu.memory_space<hbm>>) dst(%arg4 : memref<20000xf32, #tpu.memory_space<vmem>>)
      %parallel_loop3A = arith.constant 0 : i32
      %parallel_loop3A_107 = arith.constant 20000 : i32
      %parallel_loop3A_108 = arith.constant 16 : i32
      %parallel_loop3A_109 = scf.for %parallel_loop3A_125 = %parallel_loop3A to %parallel_loop3A_107 step %parallel_loop3A_108 iter_args(%parallel_loop3A_126 = %scan3A_93) -> (vector<16xf32>)  : i32 {
        %parallel_loop3A_127 = arith.index_cast %parallel_loop3A_125 : i32 to index
        %parallel_loop3A_128 = tpu.vector_load %arg4[%parallel_loop3A_127] {strides = array<i32>} : memref<20000xf32, #tpu.memory_space<vmem>>, vector<16xf32>,
        %parallel_loop3A_129 = math.exp %parallel_loop3A_128 : vector<16xf32>
        %parallel_loop3A_130 = arith.constant -1.600000e+01 : f32
        %parallel_loop3A_131 = vector.broadcast %parallel_loop3A_130 : f32 to vector<16xf32>
        %parallel_loop3A_132 = arith.subf %parallel_loop3A_128, %parallel_loop3A_131 : vector<16xf32>
        %parallel_loop3A_133 = arith.constant 2.560000e+02 : f32
        %parallel_loop3A_134 = vector.broadcast %parallel_loop3A_133 : f32 to vector<16xf32>
        %parallel_loop3A_135 = arith.mulf %parallel_loop3A_132, %parallel_loop3A_134 : vector<16xf32>
        %parallel_loop3A_136 = arith.constant 0.000000e+00 : f32
        %parallel_loop3A_137 = arith.constant 8191 : i32
        %parallel_loop3A_138 = vector.broadcast %parallel_loop3A_136 : f32 to vector<16xf32>
        %parallel_loop3A_139 = arith.maximumf %parallel_loop3A_138, %parallel_loop3A_135 : vector<16xf32>
        %parallel_loop3A_140 = arith.sitofp %parallel_loop3A_137 : i32 to f32
        %parallel_loop3A_141 = vector.broadcast %parallel_loop3A_140 : f32 to vector<16xf32>
        %parallel_loop3A_142 = arith.minimumf %parallel_loop3A_141, %parallel_loop3A_139 : vector<16xf32>
        %parallel_loop3A_143 = arith.fptosi %parallel_loop3A_142 : vector<16xf32> to vector<16xi32>
        tpu.vector_store_idx %arg8[%parallel_loop3A_143], %parallel_loop3A_129 {add = true} : memref<8192xf32, #tpu.memory_space<vmem>>[vector<16xi32>], vector<16xf32>,
        %parallel_loop3A_144 = arith.addf %parallel_loop3A_126, %parallel_loop3A_129 : vector<16xf32>
        scf.yield %parallel_loop3A_144 : vector<16xf32>
      } {sc.loop_unroll_factor = 10 : i64, sc.parallel_access}
      %add3A_110 = arith.constant 2 : i32
      %add3A_111 = arith.addi %mul3A_95, %add3A_110 : i32
      %lt3A = arith.constant 50 : i32
      %lt3A_112 = arith.cmpi slt, %add3A_111, %lt3A : i32
      %convert_element_type3A_113 = arith.extui %lt3A_112 : i1 to i32
      %cond3A = arith.constant 0 : i32
      %cond3A_114 = arith.cmpi ne, %convert_element_type3A_113, %cond3A : i32
      scf.if %cond3A_114 {
        %add3A_125 = arith.constant 2 : i32
        %add3A_126 = arith.addi %mul3A_95, %add3A_125 : i32
        %mul3A_127 = arith.constant 20000 : i32
        %mul3A_128 = arith.muli %add3A_126, %mul3A_127 : i32
        %add3A_129 = arith.addi %mul3A_2, %mul3A_128 : i32
        %dma_start3A_130 = tpu.memref_slice %arg2[%add3A_129] : memref<32000000xf32, #tpu.memory_space<hbm>> -> memref<20000xf32, #tpu.memory_space<hbm>>
        %dma_start3A_131 = tpu.memref_slice %arg2[%add3A_129] : memref<32000000xf32, #tpu.memory_space<hbm>> -> memref<20000xf32, #tpu.memory_space<hbm>>
        tpu.enqueue_dma source(%dma_start3A_131 : memref<20000xf32, #tpu.memory_space<hbm>>) target(%arg4 : memref<20000xf32, #tpu.memory_space<vmem>>) target_semaphore(%arg10 : memref<!tpu.dma_semaphore, #tpu.memory_space<semaphore_mem>>)
      } else {
      }
      %add3A_115 = arith.constant 0 : i32
      %add3A_116 = arith.addi %mul3A_2, %add3A_115 : i32
      %dma_wait3A_117 = tpu.memref_slice %arg2[%add3A_116] : memref<32000000xf32, #tpu.memory_space<hbm>> -> memref<20000xf32, #tpu.memory_space<hbm>>
      %dma_wait3A_118 = tpu.memref_slice %arg2[%add3A_116] : memref<32000000xf32, #tpu.memory_space<hbm>> -> memref<20000xf32, #tpu.memory_space<hbm>>
      tpu.wait_dma2 semaphore(%arg11 : memref<!tpu.dma_semaphore, #tpu.memory_space<semaphore_mem>>) src(%dma_wait3A_118 : memref<20000xf32, #tpu.memory_space<hbm>>) dst(%arg5 : memref<20000xf32, #tpu.memory_space<vmem>>)
      %add3A_119 = arith.constant 1 : i32
      %add3A_120 = arith.addi %mul3A_95, %add3A_119 : i32
      %parallel_loop3A_121 = arith.constant 0 : i32
      %parallel_loop3A_122 = arith.constant 20000 : i32
      %parallel_loop3A_123 = arith.constant 16 : i32
      %parallel_loop3A_124 = scf.for %parallel_loop3A_125 = %parallel_loop3A_121 to %parallel_loop3A_122 step %parallel_loop3A_123 iter_args(%parallel_loop3A_126 = %parallel_loop3A_109) -> (vector<16xf32>)  : i32 {
        %parallel_loop3A_127 = arith.index_cast %parallel_loop3A_125 : i32 to index
        %parallel_loop3A_128 = tpu.vector_load %arg5[%parallel_loop3A_127] {strides = array<i32>} : memref<20000xf32, #tpu.memory_space<vmem>>, vector<16xf32>,
        %parallel_loop3A_129 = math.exp %parallel_loop3A_128 : vector<16xf32>
        %parallel_loop3A_130 = arith.constant -1.600000e+01 : f32
        %parallel_loop3A_131 = vector.broadcast %parallel_loop3A_130 : f32 to vector<16xf32>
        %parallel_loop3A_132 = arith.subf %parallel_loop3A_128, %parallel_loop3A_131 : vector<16xf32>
        %parallel_loop3A_133 = arith.constant 2.560000e+02 : f32
        %parallel_loop3A_134 = vector.broadcast %parallel_loop3A_133 : f32 to vector<16xf32>
        %parallel_loop3A_135 = arith.mulf %parallel_loop3A_132, %parallel_loop3A_134 : vector<16xf32>
        %parallel_loop3A_136 = arith.constant 0.000000e+00 : f32
        %parallel_loop3A_137 = arith.constant 8191 : i32
        %parallel_loop3A_138 = vector.broadcast %parallel_loop3A_136 : f32 to vector<16xf32>
        %parallel_loop3A_139 = arith.maximumf %parallel_loop3A_138, %parallel_loop3A_135 : vector<16xf32>
        %parallel_loop3A_140 = arith.sitofp %parallel_loop3A_137 : i32 to f32
        %parallel_loop3A_141 = vector.broadcast %parallel_loop3A_140 : f32 to vector<16xf32>
        %parallel_loop3A_142 = arith.minimumf %parallel_loop3A_141, %parallel_loop3A_139 : vector<16xf32>
        %parallel_loop3A_143 = arith.fptosi %parallel_loop3A_142 : vector<16xf32> to vector<16xi32>
        tpu.vector_store_idx %arg8[%parallel_loop3A_143], %parallel_loop3A_129 {add = true} : memref<8192xf32, #tpu.memory_space<vmem>>[vector<16xi32>], vector<16xf32>,
        %parallel_loop3A_144 = arith.addf %parallel_loop3A_126, %parallel_loop3A_129 : vector<16xf32>
        scf.yield %parallel_loop3A_144 : vector<16xf32>
      } {sc.loop_unroll_factor = 10 : i64, sc.parallel_access}
      scf.yield %parallel_loop3A_124 : vector<16xf32>
    }
    %scan3A_25 = arith.constant 25 : i32
    %reduce_sum3A = arith.constant true
    %reduce_sum3A_26 = vector.broadcast %reduce_sum3A : i1 to vector<16xi1>
    %reduce_sum3A_27 = tpu.scan <sum>, %scan3A_24 masked %reduce_sum3A_26 : vector<16xf32>, vector<16xi1> -> vector<16xf32>
    %reduce_sum3A_28 = vector.extract %reduce_sum3A_27[15] : f32 from vector<16xf32>
    %mul3A_29 = arith.constant 0.899999976 : f32
    %mul3A_30 = arith.mulf %mul3A_29, %reduce_sum3A_28 : f32
    %iota3A = tpu.iota {dimensions = array<i32: 0>} : vector<16xi32>
    %scan3A_31 = arith.constant 0.000000e+00 : f32
    %scan3A_32 = arith.constant 0 : i32
    %scan3A_33 = arith.constant 0 : i32
    %scan3A_34 = arith.constant 0.000000e+00 : f32
    %scan3A_35 = arith.constant 0.000000e+00 : f32
    %scan3A_36 = arith.constant 0 : i32
    %scan3A_37 = arith.constant 512 : i32
    %scan3A_38 = arith.addi %scan3A_36, %scan3A_37 : i32
    %scan3A_39 = arith.constant 1 : i32
    %scan3A_40:5 = scf.for %scan3A_92 = %scan3A_36 to %scan3A_38 step %scan3A_39 iter_args(%scan3A_93 = %scan3A_31, %scan3A_94 = %scan3A_32, %scan3A_95 = %scan3A_33, %scan3A_96 = %scan3A_34, %scan3A_97 = %scan3A_35) -> (f32, i32, i32, f32, f32)  : i32 {
      %sub3A_98 = arith.constant 511 : i32
      %sub3A_99 = arith.subi %sub3A_98, %scan3A_92 : i32
      %mul3A_100 = arith.constant 16 : i32
      %mul3A_101 = arith.muli %sub3A_99, %mul3A_100 : i32
      %get3A = arith.index_cast %mul3A_101 : i32 to index
      %get3A_102 = tpu.vector_load %arg8[%get3A] {strides = array<i32>} : memref<8192xf32, #tpu.memory_space<vmem>>, vector<16xf32>,
      %rev3A = arith.constant 15 : i32
      %rev3A_103 = vector.broadcast %rev3A : i32 to vector<16xi32>
      %rev3A_104 = tpu.iota {dimensions = array<i32: 0>} : vector<16xi32>
      %rev3A_105 = arith.subi %rev3A_103, %rev3A_104 : vector<16xi32>
      %rev3A_106 = tpu.dynamic_gather %get3A_102[%rev3A_105] in [0] : vector<16xf32>, vector<16xi32> -> vector<16xf32>
      %broadcast_in_dim3A_107 = arith.constant true
      %broadcast_in_dim3A_108 = vector.broadcast %broadcast_in_dim3A_107 : i1 to vector<16xi1>
      %masked_cumsum3A = tpu.scan <sum>, %rev3A_106 masked %broadcast_in_dim3A_108 : vector<16xf32>, vector<16xi1> -> vector<16xf32>
      %rev3A_109 = arith.constant 15 : i32
      %rev3A_110 = vector.broadcast %rev3A_109 : i32 to vector<16xi32>
      %rev3A_111 = tpu.iota {dimensions = array<i32: 0>} : vector<16xi32>
      %rev3A_112 = arith.subi %rev3A_110, %rev3A_111 : vector<16xi32>
      %rev3A_113 = tpu.dynamic_gather %masked_cumsum3A[%rev3A_112] in [0] : vector<16xf32>, vector<16xi32> -> vector<16xf32>
      %add3A_114 = vector.broadcast %scan3A_93 : f32 to vector<16xf32>
      %add3A_115 = arith.addf %rev3A_113, %add3A_114 : vector<16xf32>
      %gt3A = vector.broadcast %mul3A_30 : f32 to vector<16xf32>
      %gt3A_116 = arith.cmpf ogt, %add3A_115, %gt3A : vector<16xf32>
      %all_reduce_population_count3A = tpu.all_reduce %gt3A_116 {dim = 0 : i64, kind = #tpu.reduction_kind<sum>} : vector<16xi1> -> vector<16xi32>
      %reduce_max3A = arith.constant true
      %reduce_max3A_117 = vector.broadcast %reduce_max3A : i1 to vector<16xi1>
      %reduce_max3A_118 = arith.constant -2147483648 : i32
      %reduce_max3A_119 = vector.broadcast %reduce_max3A_118 : i32 to vector<16xi32>
      %reduce_max3A_120 = arith.xori %all_reduce_population_count3A, %reduce_max3A_119 : vector<16xi32>
      %reduce_max3A_121 = tpu.scan <max>, %reduce_max3A_120 masked %reduce_max3A_117 : vector<16xi32>, vector<16xi1> -> vector<16xi32>
      %reduce_max3A_122 = arith.xori %reduce_max3A_121, %reduce_max3A_119 : vector<16xi32>
      %reduce_max3A_123 = vector.extract %reduce_max3A_122[15] : i32 from vector<16xi32>
      %gt3A_124 = arith.constant 0 : i32
      %gt3A_125 = arith.cmpi sgt, %reduce_max3A_123, %gt3A_124 : i32
      %convert_element_type3A_126 = arith.extui %gt3A_125 : i1 to i32
      %sub3A_127 = arith.constant 1 : i32
      %sub3A_128 = arith.subi %reduce_max3A_123, %sub3A_127 : i32
      %eq3A = vector.broadcast %sub3A_128 : i32 to vector<16xi32>
      %eq3A_129 = arith.cmpi eq, %iota3A, %eq3A : vector<16xi32>
      %jit3A = arith.constant 0.000000e+00 : f32
      %broadcast_in_dim3A_130 = vector.broadcast %jit3A : f32 to vector<16xf32>
      %select_n3A = arith.select %eq3A_129, %add3A_115, %broadcast_in_dim3A_130 : vector<16xi1>, vector<16xf32>
      %reduce_sum3A_131 = arith.constant true
      %reduce_sum3A_132 = vector.broadcast %reduce_sum3A_131 : i1 to vector<16xi1>
      %reduce_sum3A_133 = tpu.scan <sum>, %select_n3A masked %reduce_sum3A_132 : vector<16xf32>, vector<16xi1> -> vector<16xf32>
      %reduce_sum3A_134 = vector.extract %reduce_sum3A_133[15] : f32 from vector<16xf32>
      %jit3A_135 = arith.constant 0.000000e+00 : f32
      %broadcast_in_dim3A_136 = vector.broadcast %jit3A_135 : f32 to vector<16xf32>
      %select_n3A_137 = arith.select %eq3A_129, %get3A_102, %broadcast_in_dim3A_136 : vector<16xi1>, vector<16xf32>
      %reduce_sum3A_138 = arith.constant true
      %reduce_sum3A_139 = vector.broadcast %reduce_sum3A_138 : i1 to vector<16xi1>
      %reduce_sum3A_140 = tpu.scan <sum>, %select_n3A_137 masked %reduce_sum3A_139 : vector<16xf32>, vector<16xi1> -> vector<16xf32>
      %reduce_sum3A_141 = vector.extract %reduce_sum3A_140[15] : f32 from vector<16xf32>
      %eq3A_142 = arith.constant 1 : i32
      %eq3A_143 = arith.cmpi eq, %convert_element_type3A_126, %eq3A_142 : i32
      %eq3A_144 = arith.constant 0 : i32
      %eq3A_145 = arith.cmpi eq, %scan3A_94, %eq3A_144 : i32
      %and3A = arith.andi %eq3A_143, %eq3A_145 : i1
      %reduce_max3A_146 = arith.constant true
      %reduce_max3A_147 = vector.broadcast %reduce_max3A_146 : i1 to vector<16xi1>
      %reduce_max3A_148 = tpu.scan <max>, %add3A_115 masked %reduce_max3A_147 : vector<16xf32>, vector<16xi1> -> vector<16xf32>
      %reduce_max3A_149 = vector.extract %reduce_max3A_148[15] : f32 from vector<16xf32>
      %or3A = arith.ori %scan3A_94, %convert_element_type3A_126 : i32
      %mul3A_150 = arith.constant 16 : i32
      %mul3A_151 = arith.muli %sub3A_99, %mul3A_150 : i32
      %add3A_152 = arith.addi %mul3A_151, %sub3A_128 : i32
      %select_n3A_153 = arith.select %and3A, %add3A_152, %scan3A_95 : i32
      %select_n3A_154 = arith.select %and3A, %reduce_sum3A_134, %scan3A_96 : f32
      %select_n3A_155 = arith.select %and3A, %reduce_sum3A_141, %scan3A_97 : f32
      scf.yield %reduce_max3A_149, %or3A, %select_n3A_153, %select_n3A_154, %select_n3A_155 : f32, i32, i32, f32, f32
    }
    %scan3A_41 = arith.constant 512 : i32
    %sub3A = arith.subf %scan3A_40#3, %scan3A_40#4 : f32
    %convert_element_type3A = arith.sitofp %scan3A_40#2 : i32 to f32
    %mul3A_42 = arith.constant 3.906250e-03 : f32
    %mul3A_43 = arith.mulf %convert_element_type3A, %mul3A_42 : f32
    %add3A_44 = arith.constant -1.600000e+01 : f32
    %add3A_45 = arith.addf %add3A_44, %mul3A_43 : f32
    %add3A_46 = arith.constant 0 : i32
    %add3A_47 = arith.addi %mul3A_2, %add3A_46 : i32
    %dma_start3A_48 = tpu.memref_slice %arg2[%add3A_47] : memref<32000000xf32, #tpu.memory_space<hbm>> -> memref<20000xf32, #tpu.memory_space<hbm>>
    %dma_start3A_49 = tpu.memref_slice %arg2[%add3A_47] : memref<32000000xf32, #tpu.memory_space<hbm>> -> memref<20000xf32, #tpu.memory_space<hbm>>
    tpu.enqueue_dma source(%dma_start3A_49 : memref<20000xf32, #tpu.memory_space<hbm>>) target(%arg4 : memref<20000xf32, #tpu.memory_space<vmem>>) target_semaphore(%arg10 : memref<!tpu.dma_semaphore, #tpu.memory_space<semaphore_mem>>)
    %scan3A_50 = arith.constant 0 : i32
    %scan3A_51 = arith.constant 0 : i32
    %scan3A_52 = arith.constant 25 : i32
    %scan3A_53 = arith.addi %scan3A_51, %scan3A_52 : i32
    %scan3A_54 = arith.constant 1 : i32
    scf.for %scan3A_92 = %scan3A_51 to %scan3A_53 step %scan3A_54  : i32 {
      %mul3A_93 = arith.constant 2 : i32
      %mul3A_94 = arith.muli %scan3A_92, %mul3A_93 : i32
      %add3A_95 = arith.constant 1 : i32
      %add3A_96 = arith.addi %mul3A_94, %add3A_95 : i32
      %mul3A_97 = arith.constant 20000 : i32
      %mul3A_98 = arith.muli %add3A_96, %mul3A_97 : i32
      %add3A_99 = arith.addi %mul3A_2, %mul3A_98 : i32
      %dma_start3A_100 = tpu.memref_slice %arg2[%add3A_99] : memref<32000000xf32, #tpu.memory_space<hbm>> -> memref<20000xf32, #tpu.memory_space<hbm>>
      %dma_start3A_101 = tpu.memref_slice %arg2[%add3A_99] : memref<32000000xf32, #tpu.memory_space<hbm>> -> memref<20000xf32, #tpu.memory_space<hbm>>
      tpu.enqueue_dma source(%dma_start3A_101 : memref<20000xf32, #tpu.memory_space<hbm>>) target(%arg5 : memref<20000xf32, #tpu.memory_space<vmem>>) target_semaphore(%arg11 : memref<!tpu.dma_semaphore, #tpu.memory_space<semaphore_mem>>)
      %add3A_102 = arith.constant 0 : i32
      %add3A_103 = arith.addi %mul3A_2, %add3A_102 : i32
      %dma_wait3A_104 = tpu.memref_slice %arg2[%add3A_103] : memref<32000000xf32, #tpu.memory_space<hbm>> -> memref<20000xf32, #tpu.memory_space<hbm>>
      %dma_wait3A_105 = tpu.memref_slice %arg2[%add3A_103] : memref<32000000xf32, #tpu.memory_space<hbm>> -> memref<20000xf32, #tpu.memory_space<hbm>>
      tpu.wait_dma2 semaphore(%arg10 : memref<!tpu.dma_semaphore, #tpu.memory_space<semaphore_mem>>) src(%dma_wait3A_105 : memref<20000xf32, #tpu.memory_space<hbm>>) dst(%arg4 : memref<20000xf32, #tpu.memory_space<vmem>>)
      %parallel_loop3A = arith.constant 0 : i32
      %parallel_loop3A_106 = arith.constant 20000 : i32
      %parallel_loop3A_107 = arith.constant 16 : i32
      scf.for %parallel_loop3A_122 = %parallel_loop3A to %parallel_loop3A_106 step %parallel_loop3A_107  : i32 {
        %parallel_loop3A_123 = arith.index_cast %parallel_loop3A_122 : i32 to index
        %parallel_loop3A_124 = tpu.vector_load %arg4[%parallel_loop3A_123] {strides = array<i32>} : memref<20000xf32, #tpu.memory_space<vmem>>, vector<16xf32>,
        %parallel_loop3A_125 = math.exp %parallel_loop3A_124 : vector<16xf32>
        %parallel_loop3A_126 = arith.constant -1.600000e+01 : f32
        %parallel_loop3A_127 = vector.broadcast %parallel_loop3A_126 : f32 to vector<16xf32>
        %parallel_loop3A_128 = arith.subf %parallel_loop3A_124, %parallel_loop3A_127 : vector<16xf32>
        %parallel_loop3A_129 = arith.constant 2.560000e+02 : f32
        %parallel_loop3A_130 = vector.broadcast %parallel_loop3A_129 : f32 to vector<16xf32>
        %parallel_loop3A_131 = arith.mulf %parallel_loop3A_128, %parallel_loop3A_130 : vector<16xf32>
        %parallel_loop3A_132 = arith.constant 0.000000e+00 : f32
        %parallel_loop3A_133 = arith.constant 8191 : i32
        %parallel_loop3A_134 = vector.broadcast %parallel_loop3A_132 : f32 to vector<16xf32>
        %parallel_loop3A_135 = arith.maximumf %parallel_loop3A_134, %parallel_loop3A_131 : vector<16xf32>
        %parallel_loop3A_136 = arith.sitofp %parallel_loop3A_133 : i32 to f32
        %parallel_loop3A_137 = vector.broadcast %parallel_loop3A_136 : f32 to vector<16xf32>
        %parallel_loop3A_138 = arith.minimumf %parallel_loop3A_137, %parallel_loop3A_135 : vector<16xf32>
        %parallel_loop3A_139 = arith.fptosi %parallel_loop3A_138 : vector<16xf32> to vector<16xi32>
        %parallel_loop3A_140 = vector.broadcast %add3A_45 : f32 to vector<16xf32>
        %parallel_loop3A_141 = arith.subf %parallel_loop3A_124, %parallel_loop3A_140 : vector<16xf32>
        %parallel_loop3A_142 = arith.constant 0x49800000 : f32
        %parallel_loop3A_143 = vector.broadcast %parallel_loop3A_142 : f32 to vector<16xf32>
        %parallel_loop3A_144 = arith.mulf %parallel_loop3A_141, %parallel_loop3A_143 : vector<16xf32>
        %parallel_loop3A_145 = arith.constant 0.000000e+00 : f32
        %parallel_loop3A_146 = arith.constant 4095 : i32
        %parallel_loop3A_147 = vector.broadcast %parallel_loop3A_145 : f32 to vector<16xf32>
        %parallel_loop3A_148 = arith.maximumf %parallel_loop3A_147, %parallel_loop3A_144 : vector<16xf32>
        %parallel_loop3A_149 = arith.sitofp %parallel_loop3A_146 : i32 to f32
        %parallel_loop3A_150 = vector.broadcast %parallel_loop3A_149 : f32 to vector<16xf32>
        %parallel_loop3A_151 = arith.minimumf %parallel_loop3A_150, %parallel_loop3A_148 : vector<16xf32>
        %parallel_loop3A_152 = arith.fptosi %parallel_loop3A_151 : vector<16xf32> to vector<16xi32>
        %parallel_loop3A_153 = vector.broadcast %scan3A_40#2 : i32 to vector<16xi32>
        %parallel_loop3A_154 = arith.cmpi eq, %parallel_loop3A_139, %parallel_loop3A_153 : vector<16xi32>
        tpu.vector_store_idx %arg9[%parallel_loop3A_152], %parallel_loop3A_125 masked %parallel_loop3A_154 {add = true} : memref<4096xf32, #tpu.memory_space<vmem>>[vector<16xi32>], vector<16xf32>, vector<16xi1>
      } {sc.loop_unroll_factor = 10 : i64, sc.parallel_access}
      %add3A_108 = arith.constant 2 : i32
      %add3A_109 = arith.addi %mul3A_94, %add3A_108 : i32
      %lt3A = arith.constant 50 : i32
      %lt3A_110 = arith.cmpi slt, %add3A_109, %lt3A : i32
      %convert_element_type3A_111 = arith.extui %lt3A_110 : i1 to i32
      %cond3A = arith.constant 0 : i32
      %cond3A_112 = arith.cmpi ne, %convert_element_type3A_111, %cond3A : i32
      scf.if %cond3A_112 {
        %add3A_122 = arith.constant 2 : i32
        %add3A_123 = arith.addi %mul3A_94, %add3A_122 : i32
        %mul3A_124 = arith.constant 20000 : i32
        %mul3A_125 = arith.muli %add3A_123, %mul3A_124 : i32
        %add3A_126 = arith.addi %mul3A_2, %mul3A_125 : i32
        %dma_start3A_127 = tpu.memref_slice %arg2[%add3A_126] : memref<32000000xf32, #tpu.memory_space<hbm>> -> memref<20000xf32, #tpu.memory_space<hbm>>
        %dma_start3A_128 = tpu.memref_slice %arg2[%add3A_126] : memref<32000000xf32, #tpu.memory_space<hbm>> -> memref<20000xf32, #tpu.memory_space<hbm>>
        tpu.enqueue_dma source(%dma_start3A_128 : memref<20000xf32, #tpu.memory_space<hbm>>) target(%arg4 : memref<20000xf32, #tpu.memory_space<vmem>>) target_semaphore(%arg10 : memref<!tpu.dma_semaphore, #tpu.memory_space<semaphore_mem>>)
      } else {
      }
      %add3A_113 = arith.constant 0 : i32
      %add3A_114 = arith.addi %mul3A_2, %add3A_113 : i32
      %dma_wait3A_115 = tpu.memref_slice %arg2[%add3A_114] : memref<32000000xf32, #tpu.memory_space<hbm>> -> memref<20000xf32, #tpu.memory_space<hbm>>
      %dma_wait3A_116 = tpu.memref_slice %arg2[%add3A_114] : memref<32000000xf32, #tpu.memory_space<hbm>> -> memref<20000xf32, #tpu.memory_space<hbm>>
      tpu.wait_dma2 semaphore(%arg11 : memref<!tpu.dma_semaphore, #tpu.memory_space<semaphore_mem>>) src(%dma_wait3A_116 : memref<20000xf32, #tpu.memory_space<hbm>>) dst(%arg5 : memref<20000xf32, #tpu.memory_space<vmem>>)
      %add3A_117 = arith.constant 1 : i32
      %add3A_118 = arith.addi %mul3A_94, %add3A_117 : i32
      %parallel_loop3A_119 = arith.constant 0 : i32
      %parallel_loop3A_120 = arith.constant 20000 : i32
      %parallel_loop3A_121 = arith.constant 16 : i32
      scf.for %parallel_loop3A_122 = %parallel_loop3A_119 to %parallel_loop3A_120 step %parallel_loop3A_121  : i32 {
        %parallel_loop3A_123 = arith.index_cast %parallel_loop3A_122 : i32 to index
        %parallel_loop3A_124 = tpu.vector_load %arg5[%parallel_loop3A_123] {strides = array<i32>} : memref<20000xf32, #tpu.memory_space<vmem>>, vector<16xf32>,
        %parallel_loop3A_125 = math.exp %parallel_loop3A_124 : vector<16xf32>
        %parallel_loop3A_126 = arith.constant -1.600000e+01 : f32
        %parallel_loop3A_127 = vector.broadcast %parallel_loop3A_126 : f32 to vector<16xf32>
        %parallel_loop3A_128 = arith.subf %parallel_loop3A_124, %parallel_loop3A_127 : vector<16xf32>
        %parallel_loop3A_129 = arith.constant 2.560000e+02 : f32
        %parallel_loop3A_130 = vector.broadcast %parallel_loop3A_129 : f32 to vector<16xf32>
        %parallel_loop3A_131 = arith.mulf %parallel_loop3A_128, %parallel_loop3A_130 : vector<16xf32>
        %parallel_loop3A_132 = arith.constant 0.000000e+00 : f32
        %parallel_loop3A_133 = arith.constant 8191 : i32
        %parallel_loop3A_134 = vector.broadcast %parallel_loop3A_132 : f32 to vector<16xf32>
        %parallel_loop3A_135 = arith.maximumf %parallel_loop3A_134, %parallel_loop3A_131 : vector<16xf32>
        %parallel_loop3A_136 = arith.sitofp %parallel_loop3A_133 : i32 to f32
        %parallel_loop3A_137 = vector.broadcast %parallel_loop3A_136 : f32 to vector<16xf32>
        %parallel_loop3A_138 = arith.minimumf %parallel_loop3A_137, %parallel_loop3A_135 : vector<16xf32>
        %parallel_loop3A_139 = arith.fptosi %parallel_loop3A_138 : vector<16xf32> to vector<16xi32>
        %parallel_loop3A_140 = vector.broadcast %add3A_45 : f32 to vector<16xf32>
        %parallel_loop3A_141 = arith.subf %parallel_loop3A_124, %parallel_loop3A_140 : vector<16xf32>
        %parallel_loop3A_142 = arith.constant 0x49800000 : f32
        %parallel_loop3A_143 = vector.broadcast %parallel_loop3A_142 : f32 to vector<16xf32>
        %parallel_loop3A_144 = arith.mulf %parallel_loop3A_141, %parallel_loop3A_143 : vector<16xf32>
        %parallel_loop3A_145 = arith.constant 0.000000e+00 : f32
        %parallel_loop3A_146 = arith.constant 4095 : i32
        %parallel_loop3A_147 = vector.broadcast %parallel_loop3A_145 : f32 to vector<16xf32>
        %parallel_loop3A_148 = arith.maximumf %parallel_loop3A_147, %parallel_loop3A_144 : vector<16xf32>
        %parallel_loop3A_149 = arith.sitofp %parallel_loop3A_146 : i32 to f32
        %parallel_loop3A_150 = vector.broadcast %parallel_loop3A_149 : f32 to vector<16xf32>
        %parallel_loop3A_151 = arith.minimumf %parallel_loop3A_150, %parallel_loop3A_148 : vector<16xf32>
        %parallel_loop3A_152 = arith.fptosi %parallel_loop3A_151 : vector<16xf32> to vector<16xi32>
        %parallel_loop3A_153 = vector.broadcast %scan3A_40#2 : i32 to vector<16xi32>
        %parallel_loop3A_154 = arith.cmpi eq, %parallel_loop3A_139, %parallel_loop3A_153 : vector<16xi32>
        tpu.vector_store_idx %arg9[%parallel_loop3A_152], %parallel_loop3A_125 masked %parallel_loop3A_154 {add = true} : memref<4096xf32, #tpu.memory_space<vmem>>[vector<16xi32>], vector<16xf32>, vector<16xi1>
      } {sc.loop_unroll_factor = 10 : i64, sc.parallel_access}
    }
    %scan3A_55 = arith.constant 25 : i32
    %sub3A_56 = arith.subf %mul3A_30, %sub3A : f32
    %iota3A_57 = tpu.iota {dimensions = array<i32: 0>} : vector<16xi32>
    %scan3A_58 = arith.constant 0.000000e+00 : f32
    %scan3A_59 = arith.constant 0 : i32
    %scan3A_60 = arith.constant 0 : i32
    %scan3A_61 = arith.constant 0.000000e+00 : f32
    %scan3A_62 = arith.constant 0.000000e+00 : f32
    %scan3A_63 = arith.constant 0 : i32
    %scan3A_64 = arith.constant 256 : i32
    %scan3A_65 = arith.addi %scan3A_63, %scan3A_64 : i32
    %scan3A_66 = arith.constant 1 : i32
    %scan3A_67:5 = scf.for %scan3A_92 = %scan3A_63 to %scan3A_65 step %scan3A_66 iter_args(%scan3A_93 = %scan3A_58, %scan3A_94 = %scan3A_59, %scan3A_95 = %scan3A_60, %scan3A_96 = %scan3A_61, %scan3A_97 = %scan3A_62) -> (f32, i32, i32, f32, f32)  : i32 {
      %sub3A_98 = arith.constant 255 : i32
      %sub3A_99 = arith.subi %sub3A_98, %scan3A_92 : i32
      %mul3A_100 = arith.constant 16 : i32
      %mul3A_101 = arith.muli %sub3A_99, %mul3A_100 : i32
      %get3A = arith.index_cast %mul3A_101 : i32 to index
      %get3A_102 = tpu.vector_load %arg9[%get3A] {strides = array<i32>} : memref<4096xf32, #tpu.memory_space<vmem>>, vector<16xf32>,
      %rev3A = arith.constant 15 : i32
      %rev3A_103 = vector.broadcast %rev3A : i32 to vector<16xi32>
      %rev3A_104 = tpu.iota {dimensions = array<i32: 0>} : vector<16xi32>
      %rev3A_105 = arith.subi %rev3A_103, %rev3A_104 : vector<16xi32>
      %rev3A_106 = tpu.dynamic_gather %get3A_102[%rev3A_105] in [0] : vector<16xf32>, vector<16xi32> -> vector<16xf32>
      %broadcast_in_dim3A_107 = arith.constant true
      %broadcast_in_dim3A_108 = vector.broadcast %broadcast_in_dim3A_107 : i1 to vector<16xi1>
      %masked_cumsum3A = tpu.scan <sum>, %rev3A_106 masked %broadcast_in_dim3A_108 : vector<16xf32>, vector<16xi1> -> vector<16xf32>
      %rev3A_109 = arith.constant 15 : i32
      %rev3A_110 = vector.broadcast %rev3A_109 : i32 to vector<16xi32>
      %rev3A_111 = tpu.iota {dimensions = array<i32: 0>} : vector<16xi32>
      %rev3A_112 = arith.subi %rev3A_110, %rev3A_111 : vector<16xi32>
      %rev3A_113 = tpu.dynamic_gather %masked_cumsum3A[%rev3A_112] in [0] : vector<16xf32>, vector<16xi32> -> vector<16xf32>
      %add3A_114 = vector.broadcast %scan3A_93 : f32 to vector<16xf32>
      %add3A_115 = arith.addf %rev3A_113, %add3A_114 : vector<16xf32>
      %gt3A = vector.broadcast %sub3A_56 : f32 to vector<16xf32>
      %gt3A_116 = arith.cmpf ogt, %add3A_115, %gt3A : vector<16xf32>
      %all_reduce_population_count3A = tpu.all_reduce %gt3A_116 {dim = 0 : i64, kind = #tpu.reduction_kind<sum>} : vector<16xi1> -> vector<16xi32>
      %reduce_max3A = arith.constant true
      %reduce_max3A_117 = vector.broadcast %reduce_max3A : i1 to vector<16xi1>
      %reduce_max3A_118 = arith.constant -2147483648 : i32
      %reduce_max3A_119 = vector.broadcast %reduce_max3A_118 : i32 to vector<16xi32>
      %reduce_max3A_120 = arith.xori %all_reduce_population_count3A, %reduce_max3A_119 : vector<16xi32>
      %reduce_max3A_121 = tpu.scan <max>, %reduce_max3A_120 masked %reduce_max3A_117 : vector<16xi32>, vector<16xi1> -> vector<16xi32>
      %reduce_max3A_122 = arith.xori %reduce_max3A_121, %reduce_max3A_119 : vector<16xi32>
      %reduce_max3A_123 = vector.extract %reduce_max3A_122[15] : i32 from vector<16xi32>
      %gt3A_124 = arith.constant 0 : i32
      %gt3A_125 = arith.cmpi sgt, %reduce_max3A_123, %gt3A_124 : i32
      %convert_element_type3A_126 = arith.extui %gt3A_125 : i1 to i32
      %sub3A_127 = arith.constant 1 : i32
      %sub3A_128 = arith.subi %reduce_max3A_123, %sub3A_127 : i32
      %eq3A = vector.broadcast %sub3A_128 : i32 to vector<16xi32>
      %eq3A_129 = arith.cmpi eq, %iota3A_57, %eq3A : vector<16xi32>
      %jit3A = arith.constant 0.000000e+00 : f32
      %broadcast_in_dim3A_130 = vector.broadcast %jit3A : f32 to vector<16xf32>
      %select_n3A = arith.select %eq3A_129, %add3A_115, %broadcast_in_dim3A_130 : vector<16xi1>, vector<16xf32>
      %reduce_sum3A_131 = arith.constant true
      %reduce_sum3A_132 = vector.broadcast %reduce_sum3A_131 : i1 to vector<16xi1>
      %reduce_sum3A_133 = tpu.scan <sum>, %select_n3A masked %reduce_sum3A_132 : vector<16xf32>, vector<16xi1> -> vector<16xf32>
      %reduce_sum3A_134 = vector.extract %reduce_sum3A_133[15] : f32 from vector<16xf32>
      %jit3A_135 = arith.constant 0.000000e+00 : f32
      %broadcast_in_dim3A_136 = vector.broadcast %jit3A_135 : f32 to vector<16xf32>
      %select_n3A_137 = arith.select %eq3A_129, %get3A_102, %broadcast_in_dim3A_136 : vector<16xi1>, vector<16xf32>
      %reduce_sum3A_138 = arith.constant true
      %reduce_sum3A_139 = vector.broadcast %reduce_sum3A_138 : i1 to vector<16xi1>
      %reduce_sum3A_140 = tpu.scan <sum>, %select_n3A_137 masked %reduce_sum3A_139 : vector<16xf32>, vector<16xi1> -> vector<16xf32>
      %reduce_sum3A_141 = vector.extract %reduce_sum3A_140[15] : f32 from vector<16xf32>
      %eq3A_142 = arith.constant 1 : i32
      %eq3A_143 = arith.cmpi eq, %convert_element_type3A_126, %eq3A_142 : i32
      %eq3A_144 = arith.constant 0 : i32
      %eq3A_145 = arith.cmpi eq, %scan3A_94, %eq3A_144 : i32
      %and3A = arith.andi %eq3A_143, %eq3A_145 : i1
      %reduce_max3A_146 = arith.constant true
      %reduce_max3A_147 = vector.broadcast %reduce_max3A_146 : i1 to vector<16xi1>
      %reduce_max3A_148 = tpu.scan <max>, %add3A_115 masked %reduce_max3A_147 : vector<16xf32>, vector<16xi1> -> vector<16xf32>
      %reduce_max3A_149 = vector.extract %reduce_max3A_148[15] : f32 from vector<16xf32>
      %or3A = arith.ori %scan3A_94, %convert_element_type3A_126 : i32
      %mul3A_150 = arith.constant 16 : i32
      %mul3A_151 = arith.muli %sub3A_99, %mul3A_150 : i32
      %add3A_152 = arith.addi %mul3A_151, %sub3A_128 : i32
      %select_n3A_153 = arith.select %and3A, %add3A_152, %scan3A_95 : i32
      %select_n3A_154 = arith.select %and3A, %reduce_sum3A_134, %scan3A_96 : f32
      %select_n3A_155 = arith.select %and3A, %reduce_sum3A_141, %scan3A_97 : f32
      scf.yield %reduce_max3A_149, %or3A, %select_n3A_153, %select_n3A_154, %select_n3A_155 : f32, i32, i32, f32, f32
    }
    %scan3A_68 = arith.constant 256 : i32
    %add3A_69 = arith.constant 1.000000e+00 : f32
    %add3A_70 = vector.broadcast %add3A_69 : f32 to vector<16xf32>
    %add3A_71 = arith.addf %broadcast_in_dim3A_3, %add3A_70 : vector<16xf32>
    %add3A_72 = arith.addf %sub3A, %scan3A_67#3 : f32
    %add3A_73 = vector.broadcast %add3A_72 : f32 to vector<16xf32>
    %add3A_74 = arith.addf %broadcast_in_dim3A_3, %add3A_73 : vector<16xf32>
    %div3A = arith.divf %add3A_71, %add3A_74 : vector<16xf32>
    %add3A_75 = arith.constant 0 : i32
    %add3A_76 = arith.addi %mul3A_2, %add3A_75 : i32
    %dma_start3A_77 = tpu.memref_slice %arg2[%add3A_76] : memref<32000000xf32, #tpu.memory_space<hbm>> -> memref<20000xf32, #tpu.memory_space<hbm>>
    %dma_start3A_78 = tpu.memref_slice %arg2[%add3A_76] : memref<32000000xf32, #tpu.memory_space<hbm>> -> memref<20000xf32, #tpu.memory_space<hbm>>
    tpu.enqueue_dma source(%dma_start3A_78 : memref<20000xf32, #tpu.memory_space<hbm>>) target(%arg4 : memref<20000xf32, #tpu.memory_space<vmem>>) target_semaphore(%arg10 : memref<!tpu.dma_semaphore, #tpu.memory_space<semaphore_mem>>)
    %scan3A_79 = arith.constant 0 : i32
    %scan3A_80 = arith.constant 0 : i32
    %scan3A_81 = arith.constant 25 : i32
    %scan3A_82 = arith.addi %scan3A_80, %scan3A_81 : i32
    %scan3A_83 = arith.constant 1 : i32
    scf.for %scan3A_92 = %scan3A_80 to %scan3A_82 step %scan3A_83  : i32 {
      %mul3A_93 = arith.constant 2 : i32
      %mul3A_94 = arith.muli %scan3A_92, %mul3A_93 : i32
      %add3A_95 = arith.constant 1 : i32
      %add3A_96 = arith.addi %mul3A_94, %add3A_95 : i32
      %mul3A_97 = arith.constant 20000 : i32
      %mul3A_98 = arith.muli %add3A_96, %mul3A_97 : i32
      %add3A_99 = arith.addi %mul3A_2, %mul3A_98 : i32
      %dma_start3A_100 = tpu.memref_slice %arg2[%add3A_99] : memref<32000000xf32, #tpu.memory_space<hbm>> -> memref<20000xf32, #tpu.memory_space<hbm>>
      %dma_start3A_101 = tpu.memref_slice %arg2[%add3A_99] : memref<32000000xf32, #tpu.memory_space<hbm>> -> memref<20000xf32, #tpu.memory_space<hbm>>
      tpu.enqueue_dma source(%dma_start3A_101 : memref<20000xf32, #tpu.memory_space<hbm>>) target(%arg5 : memref<20000xf32, #tpu.memory_space<vmem>>) target_semaphore(%arg11 : memref<!tpu.dma_semaphore, #tpu.memory_space<semaphore_mem>>)
      %add3A_102 = arith.constant 0 : i32
      %add3A_103 = arith.addi %mul3A_2, %add3A_102 : i32
      %dma_wait3A_104 = tpu.memref_slice %arg2[%add3A_103] : memref<32000000xf32, #tpu.memory_space<hbm>> -> memref<20000xf32, #tpu.memory_space<hbm>>
      %dma_wait3A_105 = tpu.memref_slice %arg2[%add3A_103] : memref<32000000xf32, #tpu.memory_space<hbm>> -> memref<20000xf32, #tpu.memory_space<hbm>>
      tpu.wait_dma2 semaphore(%arg10 : memref<!tpu.dma_semaphore, #tpu.memory_space<semaphore_mem>>) src(%dma_wait3A_105 : memref<20000xf32, #tpu.memory_space<hbm>>) dst(%arg4 : memref<20000xf32, #tpu.memory_space<vmem>>)
      %ge3A = arith.constant 2 : i32
      %ge3A_106 = arith.cmpi sge, %mul3A_94, %ge3A : i32
      %convert_element_type3A_107 = arith.extui %ge3A_106 : i1 to i32
      %cond3A = arith.constant 0 : i32
      %cond3A_108 = arith.cmpi ne, %convert_element_type3A_107, %cond3A : i32
      scf.if %cond3A_108 {
        %add3A_141 = arith.constant 0 : i32
        %add3A_142 = arith.addi %mul3A_2, %add3A_141 : i32
        %dma_wait3A_143 = tpu.memref_slice %arg2[%add3A_142] : memref<32000000xf32, #tpu.memory_space<hbm>> -> memref<20000xf32, #tpu.memory_space<hbm>>
        %dma_wait3A_144 = tpu.memref_slice %arg2[%add3A_142] : memref<32000000xf32, #tpu.memory_space<hbm>> -> memref<20000xf32, #tpu.memory_space<hbm>>
        tpu.wait_dma2 semaphore(%arg12 : memref<!tpu.dma_semaphore, #tpu.memory_space<semaphore_mem>>) src(%dma_wait3A_144 : memref<20000xf32, #tpu.memory_space<hbm>>) dst(%arg6 : memref<20000xf32, #tpu.memory_space<vmem>>)
      } else {
      }
      %parallel_loop3A = arith.constant 0 : i32
      %parallel_loop3A_109 = arith.constant 20000 : i32
      %parallel_loop3A_110 = arith.constant 16 : i32
      scf.for %parallel_loop3A_141 = %parallel_loop3A to %parallel_loop3A_109 step %parallel_loop3A_110  : i32 {
        %parallel_loop3A_142 = arith.index_cast %parallel_loop3A_141 : i32 to index
        %parallel_loop3A_143 = tpu.vector_load %arg4[%parallel_loop3A_142] {strides = array<i32>} : memref<20000xf32, #tpu.memory_space<vmem>>, vector<16xf32>,
        %parallel_loop3A_144 = math.exp %parallel_loop3A_143 : vector<16xf32>
        %parallel_loop3A_145 = arith.constant -1.600000e+01 : f32
        %parallel_loop3A_146 = vector.broadcast %parallel_loop3A_145 : f32 to vector<16xf32>
        %parallel_loop3A_147 = arith.subf %parallel_loop3A_143, %parallel_loop3A_146 : vector<16xf32>
        %parallel_loop3A_148 = arith.constant 2.560000e+02 : f32
        %parallel_loop3A_149 = vector.broadcast %parallel_loop3A_148 : f32 to vector<16xf32>
        %parallel_loop3A_150 = arith.mulf %parallel_loop3A_147, %parallel_loop3A_149 : vector<16xf32>
        %parallel_loop3A_151 = arith.constant 0.000000e+00 : f32
        %parallel_loop3A_152 = arith.constant 8191 : i32
        %parallel_loop3A_153 = vector.broadcast %parallel_loop3A_151 : f32 to vector<16xf32>
        %parallel_loop3A_154 = arith.maximumf %parallel_loop3A_153, %parallel_loop3A_150 : vector<16xf32>
        %parallel_loop3A_155 = arith.sitofp %parallel_loop3A_152 : i32 to f32
        %parallel_loop3A_156 = vector.broadcast %parallel_loop3A_155 : f32 to vector<16xf32>
        %parallel_loop3A_157 = arith.minimumf %parallel_loop3A_156, %parallel_loop3A_154 : vector<16xf32>
        %parallel_loop3A_158 = arith.fptosi %parallel_loop3A_157 : vector<16xf32> to vector<16xi32>
        %parallel_loop3A_159 = vector.broadcast %add3A_45 : f32 to vector<16xf32>
        %parallel_loop3A_160 = arith.subf %parallel_loop3A_143, %parallel_loop3A_159 : vector<16xf32>
        %parallel_loop3A_161 = arith.constant 0x49800000 : f32
        %parallel_loop3A_162 = vector.broadcast %parallel_loop3A_161 : f32 to vector<16xf32>
        %parallel_loop3A_163 = arith.mulf %parallel_loop3A_160, %parallel_loop3A_162 : vector<16xf32>
        %parallel_loop3A_164 = arith.constant 0.000000e+00 : f32
        %parallel_loop3A_165 = arith.constant 4095 : i32
        %parallel_loop3A_166 = vector.broadcast %parallel_loop3A_164 : f32 to vector<16xf32>
        %parallel_loop3A_167 = arith.maximumf %parallel_loop3A_166, %parallel_loop3A_163 : vector<16xf32>
        %parallel_loop3A_168 = arith.sitofp %parallel_loop3A_165 : i32 to f32
        %parallel_loop3A_169 = vector.broadcast %parallel_loop3A_168 : f32 to vector<16xf32>
        %parallel_loop3A_170 = arith.minimumf %parallel_loop3A_169, %parallel_loop3A_167 : vector<16xf32>
        %parallel_loop3A_171 = arith.fptosi %parallel_loop3A_170 : vector<16xf32> to vector<16xi32>
        %parallel_loop3A_172 = vector.broadcast %scan3A_40#2 : i32 to vector<16xi32>
        %parallel_loop3A_173 = arith.cmpi sgt, %parallel_loop3A_158, %parallel_loop3A_172 : vector<16xi32>
        %parallel_loop3A_174 = vector.broadcast %scan3A_40#2 : i32 to vector<16xi32>
        %parallel_loop3A_175 = arith.cmpi eq, %parallel_loop3A_158, %parallel_loop3A_174 : vector<16xi32>
        %parallel_loop3A_176 = vector.broadcast %scan3A_67#2 : i32 to vector<16xi32>
        %parallel_loop3A_177 = arith.cmpi sge, %parallel_loop3A_171, %parallel_loop3A_176 : vector<16xi32>
        %parallel_loop3A_178 = arith.andi %parallel_loop3A_175, %parallel_loop3A_177 : vector<16xi1>
        %parallel_loop3A_179 = arith.ori %parallel_loop3A_173, %parallel_loop3A_178 : vector<16xi1>
        %parallel_loop3A_180 = arith.mulf %parallel_loop3A_144, %div3A : vector<16xf32>
        %parallel_loop3A_181 = arith.constant 0.000000e+00 : f32
        %parallel_loop3A_182 = vector.broadcast %parallel_loop3A_181 : f32 to vector<16xf32>
        %parallel_loop3A_183 = arith.select %parallel_loop3A_179, %parallel_loop3A_180, %parallel_loop3A_182 : vector<16xi1>, vector<16xf32>
        %parallel_loop3A_184 = arith.index_cast %parallel_loop3A_141 : i32 to index
        %parallel_loop3A_185 = tpu.vector_load %arg6[%parallel_loop3A_184] {strides = array<i32>} : memref<20000xf32, #tpu.memory_space<vmem>>, vector<16xf32>,
        tpu.vector_store %arg6[%parallel_loop3A_184], %parallel_loop3A_183 {strides = array<i32>} : memref<20000xf32, #tpu.memory_space<vmem>>, vector<16xf32>,
      } {sc.loop_unroll_factor = 10 : i64, sc.parallel_access}
      %mul3A_111 = arith.constant 20000 : i32
      %mul3A_112 = arith.muli %mul3A_94, %mul3A_111 : i32
      %add3A_113 = arith.addi %mul3A_2, %mul3A_112 : i32
      %dma_start3A_114 = tpu.memref_slice %arg3[%add3A_113] : memref<32000000xf32, #tpu.memory_space<hbm>> -> memref<20000xf32, #tpu.memory_space<hbm>>
      %dma_start3A_115 = tpu.memref_slice %arg3[%add3A_113] : memref<32000000xf32, #tpu.memory_space<hbm>> -> memref<20000xf32, #tpu.memory_space<hbm>>
      tpu.enqueue_dma source(%arg6 : memref<20000xf32, #tpu.memory_space<vmem>>) target(%dma_start3A_115 : memref<20000xf32, #tpu.memory_space<hbm>>) target_semaphore(%arg12 : memref<!tpu.dma_semaphore, #tpu.memory_space<semaphore_mem>>)
      %add3A_116 = arith.constant 2 : i32
      %add3A_117 = arith.addi %mul3A_94, %add3A_116 : i32
      %lt3A = arith.constant 50 : i32
      %lt3A_118 = arith.cmpi slt, %add3A_117, %lt3A : i32
      %convert_element_type3A_119 = arith.extui %lt3A_118 : i1 to i32
      %cond3A_120 = arith.constant 0 : i32
      %cond3A_121 = arith.cmpi ne, %convert_element_type3A_119, %cond3A_120 : i32
      scf.if %cond3A_121 {
        %add3A_141 = arith.constant 2 : i32
        %add3A_142 = arith.addi %mul3A_94, %add3A_141 : i32
        %mul3A_143 = arith.constant 20000 : i32
        %mul3A_144 = arith.muli %add3A_142, %mul3A_143 : i32
        %add3A_145 = arith.addi %mul3A_2, %mul3A_144 : i32
        %dma_start3A_146 = tpu.memref_slice %arg2[%add3A_145] : memref<32000000xf32, #tpu.memory_space<hbm>> -> memref<20000xf32, #tpu.memory_space<hbm>>
        %dma_start3A_147 = tpu.memref_slice %arg2[%add3A_145] : memref<32000000xf32, #tpu.memory_space<hbm>> -> memref<20000xf32, #tpu.memory_space<hbm>>
        tpu.enqueue_dma source(%dma_start3A_147 : memref<20000xf32, #tpu.memory_space<hbm>>) target(%arg4 : memref<20000xf32, #tpu.memory_space<vmem>>) target_semaphore(%arg10 : memref<!tpu.dma_semaphore, #tpu.memory_space<semaphore_mem>>)
      } else {
      }
      %add3A_122 = arith.constant 0 : i32
      %add3A_123 = arith.addi %mul3A_2, %add3A_122 : i32
      %dma_wait3A_124 = tpu.memref_slice %arg2[%add3A_123] : memref<32000000xf32, #tpu.memory_space<hbm>> -> memref<20000xf32, #tpu.memory_space<hbm>>
      %dma_wait3A_125 = tpu.memref_slice %arg2[%add3A_123] : memref<32000000xf32, #tpu.memory_space<hbm>> -> memref<20000xf32, #tpu.memory_space<hbm>>
      tpu.wait_dma2 semaphore(%arg11 : memref<!tpu.dma_semaphore, #tpu.memory_space<semaphore_mem>>) src(%dma_wait3A_125 : memref<20000xf32, #tpu.memory_space<hbm>>) dst(%arg5 : memref<20000xf32, #tpu.memory_space<vmem>>)
      %add3A_126 = arith.constant 1 : i32
      %add3A_127 = arith.addi %mul3A_94, %add3A_126 : i32
      %ge3A_128 = arith.constant 2 : i32
      %ge3A_129 = arith.cmpi sge, %add3A_127, %ge3A_128 : i32
      %convert_element_type3A_130 = arith.extui %ge3A_129 : i1 to i32
      %cond3A_131 = arith.constant 0 : i32
      %cond3A_132 = arith.cmpi ne, %convert_element_type3A_130, %cond3A_131 : i32
      scf.if %cond3A_132 {
        %add3A_141 = arith.constant 0 : i32
        %add3A_142 = arith.addi %mul3A_2, %add3A_141 : i32
        %dma_wait3A_143 = tpu.memref_slice %arg2[%add3A_142] : memref<32000000xf32, #tpu.memory_space<hbm>> -> memref<20000xf32, #tpu.memory_space<hbm>>
        %dma_wait3A_144 = tpu.memref_slice %arg2[%add3A_142] : memref<32000000xf32, #tpu.memory_space<hbm>> -> memref<20000xf32, #tpu.memory_space<hbm>>
        tpu.wait_dma2 semaphore(%arg13 : memref<!tpu.dma_semaphore, #tpu.memory_space<semaphore_mem>>) src(%dma_wait3A_144 : memref<20000xf32, #tpu.memory_space<hbm>>) dst(%arg7 : memref<20000xf32, #tpu.memory_space<vmem>>)
      } else {
      }
      %parallel_loop3A_133 = arith.constant 0 : i32
      %parallel_loop3A_134 = arith.constant 20000 : i32
      %parallel_loop3A_135 = arith.constant 16 : i32
      scf.for %parallel_loop3A_141 = %parallel_loop3A_133 to %parallel_loop3A_134 step %parallel_loop3A_135  : i32 {
        %parallel_loop3A_142 = arith.index_cast %parallel_loop3A_141 : i32 to index
        %parallel_loop3A_143 = tpu.vector_load %arg5[%parallel_loop3A_142] {strides = array<i32>} : memref<20000xf32, #tpu.memory_space<vmem>>, vector<16xf32>,
        %parallel_loop3A_144 = math.exp %parallel_loop3A_143 : vector<16xf32>
        %parallel_loop3A_145 = arith.constant -1.600000e+01 : f32
        %parallel_loop3A_146 = vector.broadcast %parallel_loop3A_145 : f32 to vector<16xf32>
        %parallel_loop3A_147 = arith.subf %parallel_loop3A_143, %parallel_loop3A_146 : vector<16xf32>
        %parallel_loop3A_148 = arith.constant 2.560000e+02 : f32
        %parallel_loop3A_149 = vector.broadcast %parallel_loop3A_148 : f32 to vector<16xf32>
        %parallel_loop3A_150 = arith.mulf %parallel_loop3A_147, %parallel_loop3A_149 : vector<16xf32>
        %parallel_loop3A_151 = arith.constant 0.000000e+00 : f32
        %parallel_loop3A_152 = arith.constant 8191 : i32
        %parallel_loop3A_153 = vector.broadcast %parallel_loop3A_151 : f32 to vector<16xf32>
        %parallel_loop3A_154 = arith.maximumf %parallel_loop3A_153, %parallel_loop3A_150 : vector<16xf32>
        %parallel_loop3A_155 = arith.sitofp %parallel_loop3A_152 : i32 to f32
        %parallel_loop3A_156 = vector.broadcast %parallel_loop3A_155 : f32 to vector<16xf32>
        %parallel_loop3A_157 = arith.minimumf %parallel_loop3A_156, %parallel_loop3A_154 : vector<16xf32>
        %parallel_loop3A_158 = arith.fptosi %parallel_loop3A_157 : vector<16xf32> to vector<16xi32>
        %parallel_loop3A_159 = vector.broadcast %add3A_45 : f32 to vector<16xf32>
        %parallel_loop3A_160 = arith.subf %parallel_loop3A_143, %parallel_loop3A_159 : vector<16xf32>
        %parallel_loop3A_161 = arith.constant 0x49800000 : f32
        %parallel_loop3A_162 = vector.broadcast %parallel_loop3A_161 : f32 to vector<16xf32>
        %parallel_loop3A_163 = arith.mulf %parallel_loop3A_160, %parallel_loop3A_162 : vector<16xf32>
        %parallel_loop3A_164 = arith.constant 0.000000e+00 : f32
        %parallel_loop3A_165 = arith.constant 4095 : i32
        %parallel_loop3A_166 = vector.broadcast %parallel_loop3A_164 : f32 to vector<16xf32>
        %parallel_loop3A_167 = arith.maximumf %parallel_loop3A_166, %parallel_loop3A_163 : vector<16xf32>
        %parallel_loop3A_168 = arith.sitofp %parallel_loop3A_165 : i32 to f32
        %parallel_loop3A_169 = vector.broadcast %parallel_loop3A_168 : f32 to vector<16xf32>
        %parallel_loop3A_170 = arith.minimumf %parallel_loop3A_169, %parallel_loop3A_167 : vector<16xf32>
        %parallel_loop3A_171 = arith.fptosi %parallel_loop3A_170 : vector<16xf32> to vector<16xi32>
        %parallel_loop3A_172 = vector.broadcast %scan3A_40#2 : i32 to vector<16xi32>
        %parallel_loop3A_173 = arith.cmpi sgt, %parallel_loop3A_158, %parallel_loop3A_172 : vector<16xi32>
        %parallel_loop3A_174 = vector.broadcast %scan3A_40#2 : i32 to vector<16xi32>
        %parallel_loop3A_175 = arith.cmpi eq, %parallel_loop3A_158, %parallel_loop3A_174 : vector<16xi32>
        %parallel_loop3A_176 = vector.broadcast %scan3A_67#2 : i32 to vector<16xi32>
        %parallel_loop3A_177 = arith.cmpi sge, %parallel_loop3A_171, %parallel_loop3A_176 : vector<16xi32>
        %parallel_loop3A_178 = arith.andi %parallel_loop3A_175, %parallel_loop3A_177 : vector<16xi1>
        %parallel_loop3A_179 = arith.ori %parallel_loop3A_173, %parallel_loop3A_178 : vector<16xi1>
        %parallel_loop3A_180 = arith.mulf %parallel_loop3A_144, %div3A : vector<16xf32>
        %parallel_loop3A_181 = arith.constant 0.000000e+00 : f32
        %parallel_loop3A_182 = vector.broadcast %parallel_loop3A_181 : f32 to vector<16xf32>
        %parallel_loop3A_183 = arith.select %parallel_loop3A_179, %parallel_loop3A_180, %parallel_loop3A_182 : vector<16xi1>, vector<16xf32>
        %parallel_loop3A_184 = arith.index_cast %parallel_loop3A_141 : i32 to index
        %parallel_loop3A_185 = tpu.vector_load %arg7[%parallel_loop3A_184] {strides = array<i32>} : memref<20000xf32, #tpu.memory_space<vmem>>, vector<16xf32>,
        tpu.vector_store %arg7[%parallel_loop3A_184], %parallel_loop3A_183 {strides = array<i32>} : memref<20000xf32, #tpu.memory_space<vmem>>, vector<16xf32>,
      } {sc.loop_unroll_factor = 10 : i64, sc.parallel_access}
      %mul3A_136 = arith.constant 20000 : i32
      %mul3A_137 = arith.muli %add3A_127, %mul3A_136 : i32
      %add3A_138 = arith.addi %mul3A_2, %mul3A_137 : i32
      %dma_start3A_139 = tpu.memref_slice %arg3[%add3A_138] : memref<32000000xf32, #tpu.memory_space<hbm>> -> memref<20000xf32, #tpu.memory_space<hbm>>
      %dma_start3A_140 = tpu.memref_slice %arg3[%add3A_138] : memref<32000000xf32, #tpu.memory_space<hbm>> -> memref<20000xf32, #tpu.memory_space<hbm>>
      tpu.enqueue_dma source(%arg7 : memref<20000xf32, #tpu.memory_space<vmem>>) target(%dma_start3A_140 : memref<20000xf32, #tpu.memory_space<hbm>>) target_semaphore(%arg13 : memref<!tpu.dma_semaphore, #tpu.memory_space<semaphore_mem>>)
    }
    %scan3A_84 = arith.constant 25 : i32
    %add3A_85 = arith.constant 0 : i32
    %add3A_86 = arith.addi %mul3A_2, %add3A_85 : i32
    %dma_wait3A = tpu.memref_slice %arg2[%add3A_86] : memref<32000000xf32, #tpu.memory_space<hbm>> -> memref<20000xf32, #tpu.memory_space<hbm>>
    %dma_wait3A_87 = tpu.memref_slice %arg2[%add3A_86] : memref<32000000xf32, #tpu.memory_space<hbm>> -> memref<20000xf32, #tpu.memory_space<hbm>>
    tpu.wait_dma2 semaphore(%arg12 : memref<!tpu.dma_semaphore, #tpu.memory_space<semaphore_mem>>) src(%dma_wait3A_87 : memref<20000xf32, #tpu.memory_space<hbm>>) dst(%arg6 : memref<20000xf32, #tpu.memory_space<vmem>>)
    %add3A_88 = arith.constant 0 : i32
    %add3A_89 = arith.addi %mul3A_2, %add3A_88 : i32
    %dma_wait3A_90 = tpu.memref_slice %arg2[%add3A_89] : memref<32000000xf32, #tpu.memory_space<hbm>> -> memref<20000xf32, #tpu.memory_space<hbm>>
    %dma_wait3A_91 = tpu.memref_slice %arg2[%add3A_89] : memref<32000000xf32, #tpu.memory_space<hbm>> -> memref<20000xf32, #tpu.memory_space<hbm>>
    tpu.wait_dma2 semaphore(%arg13 : memref<!tpu.dma_semaphore, #tpu.memory_space<semaphore_mem>>) src(%dma_wait3A_91 : memref<20000xf32, #tpu.memory_space<hbm>>) dst(%arg7 : memref<20000xf32, #tpu.memory_space<vmem>>)
    return
  }
}

</mosaic_0001>

<sc_bundles>
// kernel: kernel.3.cloned.1.call-start
scs
__scs_entry_jumppad:
0x0: {  	(pc) =	sbr.rel $0x88, $3  }
0x1: {  	(tag) =	ssettag $0x0;
	lr =	simm.s32 $0x1  }
0x2: {  	[smem:$0x3FA0] =	sst lr;
	_ =	strace $0xD0000000  }
0x3: {  	_ = 	snop  }
0x4: {  	_ = 	snop  }
0x5: {  	_ = 	snop  }
0x6: {  	_ = 	snop  }
0x7: {  	_ = 	snop  }
__scs_overlays_trampoline_lowered:
0x8: {  	[smem:$0x3FAF] =	sst s0  }
0x9: {  	[smem:$0x3FB0] =	sst s1  }
0xa: {  	[smem:$0x3FB1] =	sst s2  }
0xb: {  	[smem:$0x3FB2] =	sst s3  }
0xc: {  	[smem:$0x3FB3] =	sst s4  }
0xd: {  	[smem:$0x3FB4] =	sst s5  }
0xe: {  	[smem:$0x3FB5] =	sst s6  }
0xf: {  	[smem:$0x3FB6] =	sst s7  }
0x10: {  	[smem:$0x3FB7] =	sst s8  }
0x11: {  	[smem:$0x3FB8] =	sst s9;
	s0 =	simm.s32 @!p0 $0x0  }
0x12: {  	s1 =	sld [smem:$0x3F9E];
	s0 =	simm.s32 @p0 $0x1  }
0x13: {  	[smem:$0x3FB9] =	sst s0;
	s0 =	simm.s32 @!p1 $0x0  }
0x14: {  	s2 =	sld [smem:$0x3F9D];
	s0 =	simm.s32 @p1 $0x1  }
0x15: {  	[smem:$0x3FBA] =	sst s0;
	s0 =	simm.s32 @!p2 $0x0  }
0x16: {  	s3 =	sld [smem:$0x3FDB];
	s0 =	simm.s32 @p2 $0x1  }
0x17: {  	s4 =	simm.s32 $0x1BF5;
	[smem:$0x3FBC] =	sst s0  }
0x18: {  	s0 =	sld [smem:$0x3F9F];
	_ =	swait.ge [sflag:s4], $0x0  }
0x19: {  	s7 =	sld [smem:$0x3FA0]  }
0x1a: {  	s8 =	sadd.s32 $0xFFFFE003, lr  }
0x1b: {  	s9 =	sadd.s32 $0xFFFFFEF7, lr;
	s5 =	simm.s32 $0xFFFFFFFF;
	p2 =	slt.u32 s8, $0xFFFFF086  }
0x1c: {  	p1 =	slt.u32 s9, $0xF7A;
	s5 =	simm.s32 @!p2 $0x0  }
0x1d: {  	s5 =	simm.s32 @p1 $0x1;
	p0 =	seq.s32 s7, s2  }
0x1e: {  	s7 =	smul.u32 @!p0 $0xF7A, s2;
	p2 =	seq.s32 @!p0 s5, $0x0  }
0x1f: {  	s9 =	smul.u32 $0xF7A, s1;
	s8 =	simm.s32 @!p0 $0x1BF5;
	p2 =	por !p2, p0  }
0x20: {  	[sflag:s8] =	ssyncset.s32 @!p0 $0xFFFFF086;
	s6 =	sadd.s32 @!p0 s3, s7;
	s7 =	simm.s32 @!p0 $0x108  }
0x21: {  	s3 =	sadd.s32 s3, s9;
	s6 =	sadd.s32 @!p0 $0x88, s6;
	s7 =	simm.s32 @p2 $0x1082  }
0x22: {  	[simem:s7], [sflag:s8] =	dma.local @!p0 [hbm:s6], $0xF7A  }
0x23: {  	s9 =	sor.u32 $0xD0000000, s2;
	s6 =	simm.s32 $0x108;
	_ =	swait.ge @!p0 [sflag:s8], $0x0  }
0x24: {  	s3 =	sadd.s32 $0x88, s3;
	s6 =	simm.s32 @!p1 $0x1082;
	[sflag:s4] =	ssyncset.s32 $0xFFFFF086  }
0x25: {  	[simem:s6], [sflag:s4] =	dma.local [hbm:s3], $0xF7A  }
0x26: {  	[smem:$0x3FA0] =	sst s1;
	(tag) =	ssettag s2;
	_ =	strace s9  }
0x27: {  	s1 =	sld [smem:$0x3FB0]  }
0x28: {  	s2 =	sld [smem:$0x3FB1]  }
0x29: {  	s4 =	sld [smem:$0x3FB3]  }
0x2a: {  	p0 =	seq.s32 s5, $0x0;
	s5 =	sld [smem:$0x3FB4]  }
0x2b: {  	s6 =	sld [smem:$0x3FB5]  }
0x2c: {  	s7 =	sld [smem:$0x3FB6]  }
0x2d: {  	s3 =	simm.s32 $0x108;
	s8 =	sld [smem:$0x3FB7]  }
0x2e: {  	s3 =	simm.s32 @!p0 $0x1082;
	s9 =	sld [smem:$0x3FB8]  }
0x2f: {  	lr =	sadd.s32 s0, s3;
	s0 =	sld [smem:$0x3FAF]  }
0x30: {  	s3 =	sld [smem:$0x3FB2]  }
0x31: {  	[smem:$0x3FBB] =	sst s10  }
0x32: {  	s10 =	sld [smem:$0x3FB9];
	_ =	sdelay $0x3  }
0x33: {  	p0 =	seq.s32 s10, $0x1;
	s10 =	sld [smem:$0x3FBB];
	_ =	sdelay $0x3  }
0x34: {  	[smem:$0x3FBB] =	sst s10  }
0x35: {  	s10 =	sld [smem:$0x3FBA];
	_ =	sdelay $0x3  }
0x36: {  	p1 =	seq.s32 s10, $0x1;
	s10 =	sld [smem:$0x3FBB];
	_ =	sdelay $0x3  }
0x37: {  	[smem:$0x3FBB] =	sst s10  }
0x38: {  	s10 =	sld [smem:$0x3FBC]  }
0x39: {  	_ = 	snop;
	(pc) =	sbr.ind lr, $3  }
0x3a: {  	_ = 	snop  }
0x3b: {  	_ = 	snop  }
0x3c: {  	p2 =	seq.s32 s10, $0x1;
	s10 =	sld [smem:$0x3FBB]  }
0x3d: {  	_ =	shalt  }
0x3e: {  	_ =	shalt  }
0x3f: {  	_ =	shalt  }
0x40: {  	_ =	shalt  }
0x41: {  	_ =	shalt  }
0x42: {  	_ =	shalt  }
0x43: {  	_ =	shalt  }
0x44: {  	_ =	shalt  }
0x45: {  	_ =	shalt  }
0x46: {  	_ =	shalt  }
0x47: {  	_ =	shalt  }
0x48: {  	_ =	shalt  }
0x49: {  	_ =	shalt  }
0x4a: {  	_ =	shalt  }
0x4b: {  	_ =	shalt  }
0x4c: {  	_ =	shalt  }
0x4d: {  	_ =	shalt  }
0x4e: {  	_ =	shalt  }
0x4f: {  	_ =	shalt  }
0x50: {  	_ =	shalt  }
0x51: {  	_ =	shalt  }
0x52: {  	_ =	shalt  }
0x53: {  	_ =	shalt  }
0x54: {  	_ =	shalt  }
0x55: {  	_ =	shalt  }
0x56: {  	_ =	shalt  }
0x57: {  	_ =	shalt  }
0x58: {  	_ =	shalt  }
0x59: {  	_ =	shalt  }
0x5a: {  	_ =	shalt  }
0x5b: {  	_ =	shalt  }
0x5c: {  	_ =	shalt  }
0x5d: {  	_ =	shalt  }
0x5e: {  	_ =	shalt  }
0x5f: {  	_ =	shalt  }
0x60: {  	_ =	shalt  }
0x61: {  	_ =	shalt  }
0x62: {  	_ =	shalt  }
0x63: {  	_ =	shalt  }
0x64: {  	_ =	shalt  }
0x65: {  	_ =	shalt  }
0x66: {  	_ =	shalt  }
0x67: {  	_ =	shalt  }
0x68: {  	_ =	shalt  }
0x69: {  	_ =	shalt  }
0x6a: {  	_ =	shalt  }
0x6b: {  	_ =	shalt  }
0x6c: {  	_ =	shalt  }
0x6d: {  	_ =	shalt  }
0x6e: {  	_ =	shalt  }
0x6f: {  	_ =	shalt  }
0x70: {  	_ =	shalt  }
0x71: {  	_ =	shalt  }
0x72: {  	_ =	shalt  }
0x73: {  	_ =	shalt  }
0x74: {  	_ =	shalt  }
0x75: {  	_ =	shalt  }
0x76: {  	_ =	shalt  }
0x77: {  	_ =	shalt  }
0x78: {  	_ =	shalt  }
0x79: {  	_ =	shalt  }
0x7a: {  	_ =	shalt  }
0x7b: {  	_ =	shalt  }
0x7c: {  	_ =	shalt  }
0x7d: {  	_ =	shalt  }
0x7e: {  	_ =	shalt  }
0x7f: {  	_ =	shalt  }
0x80: {  	_ =	shalt  }
0x81: {  	_ =	shalt  }
0x82: {  	_ =	shalt  }
0x83: {  	_ =	shalt  }
0x84: {  	_ =	shalt  }
0x85: {  	_ =	shalt  }
0x86: {  	_ =	shalt  }
0x87: {  	_ =	shalt  }
.Lfunc_end0:
.L_simem_size_0:
called_computation_lowered:
.L_overlay_start_0:
0x88: {  	s2 =	sld [smem:$0x3FD9]  }
0x89: {  	s3 =	sld [smem:$0x3FFE];
	_ =	sdelay $0x1  }
0x8a: {  	s1 =	srdreg.scid  }
0x8b: {  	s0 =	sand.u32 $0x1, s1  }
0x8c: {  	s16 =	sshll.u32 s0, $0xA;
	s2 =	sadd.s32 s3, s2  }
0x8d: {  	s2 =	sadd.s32 s2, s16  }
0x8e: {  	[smem:$0x3FC7] =	sst s2  }
0x8f: {  	_ = 	snop  }
0x90: {  	(tm) =	ssettm $0x1  }
0x91: {  	s17 =	sld [smem:$0x3FFB];
	_ =	sdelay $0x3  }
0x92: {  	_ =	strace s17  }
0x93: {  	s2 =	sld [smem:$0x3FFC];
	_ =	sdelay $0x3  }
0x94: {  	_ =	strace s2  }
0x95: {  	s2 =	sld [smem:$0x3FFD];
	_ =	sdelay $0x3  }
0x96: {  	_ =	strace s2  }
0x97: {  	_ =	strace $0x8FFFFFFF  }
0x98: {  	s18 =	sld [smem:$0x3FDB];
	_ =	sdelay $0x1  }
0x99: {  	s19 =	simm.s32 $_scs_section_size  }
0x9a: {  	s4 =	simm.s32 $_size__tile_overlayer_lowered;
	s5 =	simm.s32 $_tile_overlayer_lowered  }
0x9b: {  	s22 =	simm.s32 $0x1BFF;
	s21 =	sshll.u32 s5, $0x1;
	s2 =	sadd.s32 s19, s18  }
0x9c: {  	s6 =	simm.s32 $0x0;
	s20 =	sshll.u32 s4, $0x1;
	s4 =	sadd.s32 s21, s2  }
0x9d: {  	[timem:s6], [sflag:s22] =	dma.local [hbm:s4], s20  }
0x9e: {  	_ =	swait.ge [sflag:s22], s20  }
0x9f: {  	s3 =	ssub.s32 $0x0, s20;
	[sflag:s22] =	ssyncset.done $0x0  }
0xa0: {  	[sflag:s22] =	ssyncadd.s32 s3;
	_ =	sdelay $0x1  }
0xa1: {  	s23 =	simm.s32 $0x1B8B  }
0xa2: {  	_ =	swait.ge [sflag:s23], $0x1  }
0xa3: {  	[sflag:s23] =	ssyncset.done $0x0  }
0xa4: {  	s25 =	simm.s32 $0x1B8E;
	s24 =	sld [smem:$0x3FFE];
	[sflag:s23] =	ssyncadd.s32 $0xFFFFFFFF  }
0xa5: {  	s26 =	simm.s32 $execute0_lowered;
	[smem:$0x3FD2] =	sst s25  }
0xa6: {  	s4 =	sshll.u32 s26, $0x1;
	_ =	strace $0x80000046;
	[dreg:$0x1] =	wrdreg $0xFFFFFFFF  }
0xa7: {  	s28 =	simm.s32 $_size_execute0_lowered;
	s2 =	sadd.s32 s2, s4;
	[dreg:$0x0] =	wrdreg $0x0  }
0xa8: {  	s4 =	sshll.u32 s28, $0x1;
	[dreg:$0x2] =	wrdreg s2  }
0xa9: {  	[dreg:$0x3] =	wrdreg s4  }
0xaa: {  	[dreg:$0x4] =	wrdreg $0xC0  }
0xab: {  	_ =	task [dreg:s6], $0x5FFFF  }
0xac: {  	[dreg:$0x1] =	wrdreg $0xFFFFFFFF  }
0xad: {  	[dreg:$0x0] =	wrdreg $0x60  }
0xae: {  	[dreg:$0x2] =	wrdreg s24  }
0xaf: {  	[dreg:$0x3] =	wrdreg $0x9  }
0xb0: {  	_ =	task.clear_ibuf [dreg:s6], $0x4FFFF;
	_ =	strace $0x90000046  }
0xb1: {  	s29 =	simm.s32 $0x9;
	_ =	strace $0x80000048  }
0xb2: {  	_ =	swait.ge [sflag:s29], $0x1  }
0xb3: {  	[sflag:s29] =	ssyncadd.s32 $0xFFFFFFFF  }
0xb4: {  	_ =	strace $0x90000048  }
0xb5: {  	_ =	sfence  }
0xb6: {  	s30 =	sld [smem:$0x0];
	_ =	sdelay $0x2  }
0xb7: {  	s31 =	sshll.u32 s1, $0xD;
	s1 =	sshrl.u32 s1, $0x2  }
0xb8: {  	s3 =	sand.u32 $0x4000, s31;
	s1 =	sadd.s32 s1, s30  }
0xb9: {  	s0 =	sor.u32 s3, s0;
	s1 =	sshll.u32 s1, $0x11  }
0xba: {  	s0 =	sor.u32 s1, s0  }
0xbb: {  	s0 =	sadd.s32 $0x8F2B, s0  }
0xbc: {  	[sflag:s0] =	ssyncadd.remote.s32 $0x1  }
0xbd: {  	_ =	sfence.sel $0xFFFF  }
0xbe: {  	[dreg:$0x0] =	wrdreg $0xFFFFFFFF;
	(pc) =	sbr.abs _section_cstart, $3  }
0xbf: {  	[dreg:$0x1] =	wrdreg $0xFFFFFFFF  }
0xc0: {  	_ =	task.clear_ibuf [dreg:s6], $0x2FFFF;
	_ =	strace $0x9FFFFFFF  }
0xc1: {  	(tm) =	ssettm $0x7FFFFFFF  }
tec
execute0_lowered:
.L_overlay_start_1:
0x0: {  	(tag) =	ssettag $0x1  }
0x1: {  	s1 =	srdreg.scid  }
0x2: {  	s0 =	stileid.u32;
	s5 =	rddreg [dreg:$0x0]  }
0x3: {  	s2 =	simm.s32 $0x0;
	s10 =	simm.s32 $0x4E80;
	s11 =	simm.s32 $0x1  }
0x4: {  	s12 =	simm.s32 $0x13A00;
	s13 =	simm.s32 $0x2;
	s14 =	simm.s32 $0x15A00  }
0x5: {  	s15 =	simm.s32 $0x9D00;
	s16 =	simm.s32 $0x4;
	s17 =	simm.s32 $0xEB80  }
0x6: {  	s18 =	simm.s32 $0x3;
	s6 =	sand.u32 $0x1, s1;
	s3 =	sshll.u32 s0, $0x1  }
0x7: {  	s19 =	simm.s32 $0x0;
	[smem:$0x7FF] =	sst s2;
	s3 =	sor.u32 s6, s3  }
0x8: {  	v0 =	vlaneseq.u32;
	s4 =	sadd.s32 $0x400, s5;
	s6 =	ssub.s32 $0x2, s6;
	s3 =	smul.u32 $0xF4240, s3  }
0x9: {  	s5 =	sadd.s32 $0x3D1000, s5;
	v2 =	vmul.u32 $0xFFFFFFFF, v0;
	_ =	strace $0x80000047;
	s7 =	sshrl.u32 s6, $0x1  }
0xa: {  	s9 =	ssub.s32 s6, s7;
	s8 =	sshrl.u32 s3, $0x3;
	s7 =	sadd.s32 $0x4E20, s3  }
0xb: {  	v1 =	vimm.f32 $0.0e+00;
	v2 =	vadd.s32 $0xF, v2;
	s9 =	smax.u32 s9, $0x1;
	s6 =	sadd.s32 s4, s8;
	s8 =	sadd.s32 $0x9C40, s3  }
.LBB2_1:
0xc: {  	s20 =	simm.s32 $0x0  }
.LBB2_2:
0xd: {  	p0 =	sne.s32 s20, $0x7FC0  }
.Ltmp0:
0xe: {  	_ = 	snop;
	(pc) =	sbr.rel @p0 .LBB2_2-.Ltmp0, $3  }
0xf: {  	_ =	sdelay $0x1  }
0x10: {  	s21 =	sshra.s32 s20, $0x2  }
0x11: {  	s20 =	sadd.s32 $0x40, s20;
	[tilespmem:s21+$0x13A00] =	vst v1  }
0x12: {  	s20 =	simm.s32 $0x40;
	s21 =	simm.s32 $0x0  }
.LBB2_4:
0x13: {  	p0 =	sne.s32 s20, $0x3FC0;
	[tilespmem:s21+$0x15A00] =	vst v1;
	s21 =	smov.u32 s20;
	s20 =	sadd.s32 $0x40, s20  }
.Ltmp1:
0x14: {  	(pc) =	sbr.rel @p0 .LBB2_4-.Ltmp1, $2  }
0x15: {  	_ =	sdelay $0x2  }
0x16: {  	s21 =	sshra.s32 s21, $0x2  }
0x17: {  	[tilespmem:s21+$0x15A00] =	vst v1;
	s20 =	simm.s32 $0x0  }
0x18: {  	v8 =	vimm.f32 $0.0e+00;
	[tilespmem:s20], [sflag:$0x1] =	stream.linear.gather [hbm4b:s6+s20], $0x4E20, $0x38;
	[tilespmem:$0x16A00] =	vst v63  }
.LBB2_6:
0x19: {  	s21 =	smul.u32 $0x9C40, s20;
	_ =	sdelay $0x1  }
0x1a: {  	s22 =	sadd.s32 s21, s7  }
0x1b: {  	s22 =	sshrl.u32 s22, $0x3  }
0x1c: {  	s22 =	sadd.s32 s4, s22  }
0x1d: {  	[tilespmem:s10], [sflag:$0x2] =	stream.linear.gather [hbm4b:s22+s2], $0x4E20, $0x38;
	[tilespmem:$0x16A00] =	vst v63  }
0x1e: {  	_ =	swait.ge [sflag:s11], $0x4E20  }
0x1f: {  	[sflag:s11] =	ssyncset.done $0x0  }
0x20: {  	s23 =	simm.s32 $0x50;
	[sflag:s11] =	ssyncadd.s32 $0xFFFFB1E0  }
0x21: {  	v3 =	vld [tilespmem:s23+$0xFFFFFFB0]  }
0x22: {  	v5 =	vld [tilespmem:s23+$0x20]  }
0x23: {  	v12 =	vld [tilespmem:s23+$0x0]  }
0x24: {  	v6 =	vld [tilespmem:s23+$0x40]  }
0x25: {  	v15 =	vld [tilespmem:s23+$0xFFFFFFD0]  }
0x26: {  	v7 =	vld [tilespmem:s23+$0xFFFFFFE0]  }
0x27: {  	v9 =	vld [tilespmem:s23+$0xFFFFFFF0]  }
0x28: {  	v11 =	vld [tilespmem:s23+$0xFFFFFFC0];
	v10 =	vmul.f32 $1.442695020e+00, v3  }
0x29: {  	v17 =	vld [tilespmem:s23+$0x10];
	v14 =	vmul.f32 $1.442695020e+00, v5;
	v5 =	vadd.f32 $1.600000000e+01, v5;
	v13 =	vmul.f32 $1.442695020e+00, v12  }
0x2a: {  	s22 =	simm.s32 $0x0;
	v16 =	vadd.f32 $1.600000000e+01, v6;
	v21 =	vmul.f32 $1.442695020e+00, v6;
	v18 =	vmul.f32 $1.442695020e+00, v15  }
0x2b: {  	s24 =	sand.u32 $0x7FE0, s22;
	(erf) = vpow2.f32 v10;
	v10 =	vmul.f32 $2.560000000e+02, v5  }
0x2c: {  	v4 =	vld [tilespmem:s24+$0x80];
	v6 =	vadd.f32 $1.600000000e+01, v7;
	v5 =	vmul.f32 $2.560000000e+02, v16;
	v16 =	vmul.f32 $1.442695020e+00, v9  }
0x2d: {  	v20 =	vadd.f32 $1.600000000e+01, v9;
	(erf) = vpow2.f32 v13;
	v13 =	vmul.f32 $1.442695020e+00, v11  }
0x2e: {  	v9 =	vmul.f32 $1.442695020e+00, v17;
	v11 =	vadd.f32 $1.600000000e+01, v11;
	(erf) = vpow2.f32 v16  }
0x2f: {  	v6 =	vmul.f32 $2.560000000e+02, v6;
	v16 =	vadd.f32 $1.600000000e+01, v17;
	(erf) = vpow2.f32 v13  }
0x30: {  	v11 =	vmul.f32 $2.560000000e+02, v11;
	v13 =	vadd.f32 $1.600000000e+01, v3;
	v3 =	vmul.f32 $1.442695020e+00, v7  }
0x31: {  	v19 =	vadd.f32 $1.600000000e+01, v4;
	(erf) = vpow2.f32 v18;
	v7 =	vmul.f32 $2.560000000e+02, v16  }
0x32: {  	v22 =	vmul.f32 $2.560000000e+02, v20;
	(erf) = vpow2.f32 v9;
	v9 =	vmax.f32 v11, $0.0e+00  }
0x33: {  	v9 =	vmin.f32 v9, $8.191000000e+03;
	v7 =	vmax.f32 v7, $0.0e+00;
	(erf) = vpow2.f32 v3  }
0x34: {  	v5 =	vmax.f32 v5, $0.0e+00;
	v3 =	vtrunc.f32 v9;
	v7 =	vmin.f32 v7, $8.191000000e+03  }
0x35: {  	v11 =	vmin.f32 v5, $8.191000000e+03;
	(erf) = vpow2.f32 v14;
	v7 =	vtrunc.f32 v7  }
0x36: {  	v14 =	vmax.f32 v6, $0.0e+00;
	v9 =	vpop (erf);
	v6 =	vcvt.f32.s32 v7;
	v7 =	vtrunc.f32 v11  }
0x37: {  	v15 =	vadd.f32 $1.600000000e+01, v15;
	v5 =	vcvt.f32.s32 v3;
	v3 =	vpop (erf);
	v8 =	vadd.f32 v9, v8  }
0x38: {  	v20 =	vadd.f32 $1.600000000e+01, v12;
	v19 =	vmul.f32 $2.560000000e+02, v19;
	v12 =	vmax.f32 v22, $0.0e+00;
	v11 =	vpop (erf)  }
0x39: {  	v18 =	vmul.f32 $2.560000000e+02, v15;
	v15 =	vmin.f32 v14, $8.191000000e+03;
	v14 =	vcvt.f32.s32 v7;
	v7 =	vpop (erf)  }
0x3a: {  	v19 =	vmax.f32 v19, $0.0e+00;
	v12 =	vmin.f32 v12, $8.191000000e+03;
	v15 =	vtrunc.f32 v15;
	v16 =	vpop (erf)  }
0x3b: {  	s23 =	simm.s32 $0xF0;
	(erf) = vpow2.f32 v21;
	v15 =	vcvt.f32.s32 v15;
	v17 =	vadd.f32 v7, v8;
	v8 =	vpop (erf)  }
.LBB2_7:
0x3c: {  	s22 =	sadd.s32 $0xA0, s22;
	v21 =	vld [tilespmem:s23+$0xFFFFFFB0];
	v18 =	vmax.f32 v18, $0.0e+00;
	v25 =	vtrunc.f32 v12;
	v26 =	vmul.f32 $2.560000000e+02, v20;
	v22 =	vpop (erf)  }
0x3d: {  	v13 =	vmul.f32 $2.560000000e+02, v13;
	v17 =	vadd.f32 v16, v17;
	v12 =	vmovc v16;
	v23 =	vld [tilespmem:s23+$0x20];
	s24 =	sand.u32 $0x7FE0, s22;
	p0 =	slt.u32 s22, $0x4D80;
	v24 =	vcvt.f32.s32 v25  }
0x3e: {  	v10 =	vmax.f32 v10, $0.0e+00;
	v16 =	vmin.f32 v18, $8.191000000e+03;
	v25 =	vld [tilespmem:s23+$0x0];
	v18 =	vmax.f32 v26, $0.0e+00;
	v20 =	vpop (erf)  }
0x3f: {  	v27 =	vmin.f32 v10, $8.191000000e+03;
	v13 =	vmax.f32 v13, $0.0e+00;
	v26 =	vld [tilespmem:s23+$0x40];
	v18 =	vmin.f32 v18, $8.191000000e+03  }
0x40: {  	v10 =	vmin.f32 v13, $8.191000000e+03;
	v13 =	vmul.f32 $1.442695020e+00, v4;
	v18 =	vtrunc.f32 v18;
	v4 =	vld [tilespmem:s24+$0x80]  }
0x41: {  	v17 =	vadd.f32 v22, v17;
	v10 =	vtrunc.f32 v10;
	v28 =	vmul.f32 $1.442695020e+00, v21;
	v29 =	vld [tilespmem:s23+$0xFFFFFFE0]  }
0x42: {  	v32 =	vcvt.f32.s32 v10;
	v30 =	vld [tilespmem:s23+$0xFFFFFFF0];
	v31 =	vmul.f32 $1.442695020e+00, v23;
	v23 =	vadd.f32 $1.600000000e+01, v23  }
0x43: {  	v19 =	vmin.f32 v19, $8.191000000e+03;
	v17 =	vadd.f32 v11, v17;
	v33 =	vld [tilespmem:s23+$0xFFFFFFC0];
	(erf) = vpow2.f32 v28  }
0x44: {  	v34 =	vmul.f32 $1.442695020e+00, v25;
	v28 =	vld [tilespmem:s23+$0xFFFFFFD0];
	v10 =	vmul.f32 $2.560000000e+02, v23;
	v23 =	vadd.f32 $1.600000000e+01, v26;
	v35 =	vpop (erf)  }
0x45: {  	v27 =	vtrunc.f32 v27;
	v26 =	vmul.f32 $1.442695020e+00, v26;
	v36 =	vadd.f32 $1.600000000e+01, v4;
	[tilespmem:v14+s12+$0x0] =	vst.idx.add.f32.msk $0xffff, v35  }
0x46: {  	v14 =	vmul.f32 $2.560000000e+02, v23;
	[tilespmem:v24+s12+$0x0] =	vst.idx.add.f32.msk $0xffff, v11;
	v11 =	vadd.f32 v3, v17;
	(erf) = vpow2.f32 v13  }
0x47: {  	v17 =	vadd.f32 $1.600000000e+01, v29;
	v13 =	vmul.f32 $1.442695020e+00, v30;
	(erf) = vpow2.f32 v34;
	[tilespmem:v15+s12+$0x0] =	vst.idx.add.f32.msk $0xffff, v22  }
0x48: {  	v19 =	vtrunc.f32 v19;
	v15 =	vmul.f32 $1.442695020e+00, v33;
	v22 =	vld [tilespmem:s23+$0x10];
	v11 =	vadd.f32 v8, v11  }
0x49: {  	v23 =	vadd.f32 $1.600000000e+01, v33;
	v24 =	vmul.f32 $1.442695020e+00, v28;
	(erf) = vpow2.f32 v13;
	[tilespmem:v32+s12+$0x0] =	vst.idx.add.f32.msk $0xffff, v9  }
0x4a: {  	v14 =	vmax.f32 v14, $0.0e+00;
	(erf) = vpow2.f32 v15;
	v15 =	vcvt.f32.s32 v27  }
0x4b: {  	v19 =	vcvt.f32.s32 v19;
	v23 =	vmul.f32 $2.560000000e+02, v23;
	v27 =	vadd.f32 $1.600000000e+01, v30  }
0x4c: {  	v13 =	vadd.f32 $1.600000000e+01, v21;
	v11 =	vadd.f32 v20, v11;
	v9 =	vpop (erf);
	(erf) = vpow2.f32 v24  }
0x4d: {  	v21 =	vmul.f32 $1.442695020e+00, v29;
	v30 =	vmul.f32 $1.442695020e+00, v22;
	v22 =	vadd.f32 $1.600000000e+01, v22  }
0x4e: {  	v16 =	vtrunc.f32 v16;
	v18 =	vcvt.f32.s32 v18;
	v28 =	vadd.f32 $1.600000000e+01, v28  }
0x4f: {  	v14 =	vmin.f32 v14, $8.191000000e+03;
	v22 =	vmul.f32 $2.560000000e+02, v22;
	(erf) = vpow2.f32 v30;
	v24 =	vpop (erf)  }
0x50: {  	v17 =	vmul.f32 $2.560000000e+02, v17;
	v23 =	vmax.f32 v23, $0.0e+00;
	v29 =	vpop (erf);
	[tilespmem:v15+s12+$0x0] =	vst.idx.add.f32.msk $0xffff, v20;
	v15 =	vadd.f32 v24, v11  }
0x51: {  	v23 =	vmin.f32 v23, $8.191000000e+03;
	v20 =	vmax.f32 v22, $0.0e+00;
	(erf) = vpow2.f32 v21;
	[tilespmem:v19+s12+$0x0] =	vst.idx.add.f32.msk $0xffff, v24  }
0x52: {  	v19 =	vtrunc.f32 v23;
	v21 =	vcvt.f32.s32 v16;
	v20 =	vmin.f32 v20, $8.191000000e+03;
	v11 =	vpop (erf)  }
0x53: {  	v15 =	vadd.f32 v35, v15;
	v20 =	vtrunc.f32 v20;
	v22 =	vpop (erf);
	(erf) = vpow2.f32 v31  }
0x54: {  	v17 =	vmax.f32 v17, $0.0e+00;
	v23 =	vcvt.f32.s32 v19;
	v19 =	vcvt.f32.s32 v20;
	[tilespmem:v18+s12+$0x0] =	vst.idx.add.f32.msk $0xffff, v3;
	v3 =	vmovc v29  }
.Ltmp2:
0x55: {  	v14 =	vtrunc.f32 v14;
	v17 =	vmin.f32 v17, $8.191000000e+03;
	v18 =	vmul.f32 $2.560000000e+02, v28;
	v16 =	vpop (erf);
	(pc) =	sbr.rel @p0 .LBB2_7-.Ltmp2, $4  }
0x56: {  	v14 =	vcvt.f32.s32 v14;
	v24 =	vmul.f32 $2.560000000e+02, v27;
	v15 =	vadd.f32 v9, v15  }
0x57: {  	v27 =	vtrunc.f32 v17;
	v20 =	vadd.f32 $1.600000000e+01, v25;
	v25 =	vmul.f32 $2.560000000e+02, v36;
	[tilespmem:v6+s12+$0x0] =	vst.idx.add.f32.msk $0xffff, v8;
	v6 =	vmovc v19  }
0x58: {  	v17 =	vadd.f32 v22, v15;
	v15 =	vcvt.f32.s32 v27;
	v19 =	vmax.f32 v24, $0.0e+00;
	v8 =	vpop (erf);
	[tilespmem:v21+s12+$0x0] =	vst.idx.add.f32.msk $0xffff, v12  }
0x59: {  	s23 =	sadd.s32 $0xA0, s23;
	v12 =	vmin.f32 v19, $8.191000000e+03;
	v19 =	vmax.f32 v25, $0.0e+00;
	(erf) = vpow2.f32 v26;
	[tilespmem:v5+s12+$0x0] =	vst.idx.add.f32.msk $0xffff, v7;
	v7 =	vmovc v22;
	v5 =	vmovc v23  }
0x5a: {  	v13 =	vmul.f32 $2.560000000e+02, v13;
	v12 =	vtrunc.f32 v12  }
0x5b: {  	v4 =	vmul.f32 $1.442695020e+00, v4;
	v20 =	vmul.f32 $2.560000000e+02, v20  }
0x5c: {  	v10 =	vmax.f32 v10, $0.0e+00;
	v19 =	vmin.f32 v19, $8.191000000e+03;
	v12 =	vcvt.f32.s32 v12  }
0x5d: {  	v10 =	vmin.f32 v10, $8.191000000e+03;
	v13 =	vmax.f32 v13, $0.0e+00;
	(erf) = vpow2.f32 v4  }
0x5e: {  	v4 =	vmax.f32 v20, $0.0e+00;
	v10 =	vtrunc.f32 v10;
	v13 =	vmin.f32 v13, $8.191000000e+03  }
0x5f: {  	v4 =	vmin.f32 v4, $8.191000000e+03;
	v10 =	vcvt.f32.s32 v10;
	v13 =	vtrunc.f32 v13  }
0x60: {  	v18 =	vmax.f32 v18, $0.0e+00;
	[tilespmem:v6+s12+$0x0] =	vst.idx.add.f32.msk $0xffff, v8;
	v4 =	vtrunc.f32 v4;
	v13 =	vcvt.f32.s32 v13  }
0x61: {  	[tilespmem:v5+s12+$0x0] =	vst.idx.add.f32.msk $0xffff, v7;
	v19 =	vtrunc.f32 v19;
	v18 =	vmin.f32 v18, $8.191000000e+03;
	v20 =	vpop (erf);
	v4 =	vcvt.f32.s32 v4  }
0x62: {  	v19 =	vcvt.f32.s32 v19;
	v21 =	vpop (erf);
	[tilespmem:v12+s12+$0x0] =	vst.idx.add.f32.msk $0xffff, v11;
	v12 =	vtrunc.f32 v18  }
0x63: {  	[tilespmem:v15+s12+$0x0] =	vst.idx.add.f32.msk $0xffff, v20;
	v22 =	vpop (erf);
	v12 =	vcvt.f32.s32 v12  }
0x64: {  	[tilespmem:v14+s12+$0x0] =	vst.idx.add.f32.msk $0xffff, v22  }
0x65: {  	[tilespmem:v10+s12+$0x0] =	vst.idx.add.f32.msk $0xffff, v21  }
0x66: {  	p0 =	seq.s32 s20, $0x18;
	[tilespmem:v13+s12+$0x0] =	vst.idx.add.f32.msk $0xffff, v9  }
0x67: {  	s21 =	sadd.s32 @!p0 s21, s8;
	v9 =	vpop (erf);
	[tilespmem:v4+s12+$0x0] =	vst.idx.add.f32.msk $0xffff, v3  }
0x68: {  	s21 =	sshrl.u32 @!p0 s21, $0x3;
	v4 =	vadd.f32 v16, v17;
	[tilespmem:v19+s12+$0x0] =	vst.idx.add.f32.msk $0xffff, v9  }
0x69: {  	s22 =	simm.s32 @!p0 $0x0;
	s21 =	sadd.s32 @!p0 s4, s21;
	[tilespmem:v12+s12+$0x0] =	vst.idx.add.f32.msk $0xffff, v16  }
0x6a: {  	v4 =	vadd.f32 v20, v4;
	[tilespmem:s22], [sflag:$0x1] =	stream.linear.gather @!p0 [hbm4b:s21+s22], $0x4E20, $0x38;
	[tilespmem:$0x16A00] =	vst v63  }
0x6b: {  	_ =	swait.ge [sflag:s13], $0x4E20  }
0x6c: {  	v4 =	vadd.f32 v11, v4;
	[sflag:s13] =	ssyncset.done $0x0  }
0x6d: {  	s31 =	simm.s32 $0x4ED0;
	[sflag:s13] =	ssyncadd.s32 $0xFFFFB1E0  }
0x6e: {  	v3 =	vadd.f32 v3, v4;
	v4 =	vld [tilespmem:s31+$0xFFFFFFB0]  }
0x6f: {  	v5 =	vld [tilespmem:s31+$0x20]  }
0x70: {  	v3 =	vadd.f32 v8, v3;
	v12 =	vld [tilespmem:s31+$0x0]  }
0x71: {  	v6 =	vld [tilespmem:s31+$0x40]  }
0x72: {  	v15 =	vld [tilespmem:s31+$0xFFFFFFD0];
	v7 =	vadd.f32 v21, v3  }
0x73: {  	v8 =	vld [tilespmem:s31+$0xFFFFFFE0]  }
0x74: {  	v7 =	vadd.f32 v9, v7;
	v9 =	vld [tilespmem:s31+$0xFFFFFFF0]  }
0x75: {  	v11 =	vld [tilespmem:s31+$0xFFFFFFC0];
	v10 =	vmul.f32 $1.442695020e+00, v4  }
0x76: {  	v17 =	vld [tilespmem:s31+$0x10];
	v14 =	vmul.f32 $1.442695020e+00, v5;
	v5 =	vadd.f32 $1.600000000e+01, v5;
	v13 =	vmul.f32 $1.442695020e+00, v12  }
0x77: {  	s21 =	simm.s32 $0x0;
	v16 =	vadd.f32 $1.600000000e+01, v6;
	v21 =	vmul.f32 $1.442695020e+00, v6;
	v18 =	vmul.f32 $1.442695020e+00, v15  }
0x78: {  	s23 =	sand.u32 $0x7FE0, s21;
	v6 =	vadd.f32 $1.600000000e+01, v8;
	(erf) = vpow2.f32 v10;
	v10 =	vmul.f32 $2.560000000e+02, v5  }
0x79: {  	v3 =	vld [tilespmem:s23+$0x4F00];
	v15 =	vadd.f32 $1.600000000e+01, v15;
	v5 =	vmul.f32 $2.560000000e+02, v16;
	v16 =	vmul.f32 $1.442695020e+00, v9  }
0x7a: {  	v7 =	vadd.f32 v22, v7;
	(erf) = vpow2.f32 v13;
	v13 =	vmul.f32 $1.442695020e+00, v11  }
0x7b: {  	v6 =	vmul.f32 $2.560000000e+02, v6;
	(erf) = vpow2.f32 v16;
	v16 =	vadd.f32 $1.600000000e+01, v17  }
0x7c: {  	v11 =	vadd.f32 $1.600000000e+01, v11;
	v17 =	vmul.f32 $1.442695020e+00, v17;
	(erf) = vpow2.f32 v13  }
0x7d: {  	v13 =	vadd.f32 $1.600000000e+01, v4;
	v4 =	vmul.f32 $1.442695020e+00, v8;
	v8 =	vmul.f32 $2.560000000e+02, v16  }
0x7e: {  	v19 =	vadd.f32 $1.600000000e+01, v3;
	v11 =	vmul.f32 $2.560000000e+02, v11;
	(erf) = vpow2.f32 v18  }
0x7f: {  	v9 =	vadd.f32 $1.600000000e+01, v9;
	(erf) = vpow2.f32 v17;
	v8 =	vmax.f32 v8, $0.0e+00  }
0x80: {  	v11 =	vmax.f32 v11, $0.0e+00;
	(erf) = vpow2.f32 v4;
	v8 =	vmin.f32 v8, $8.191000000e+03  }
0x81: {  	v5 =	vmax.f32 v5, $0.0e+00;
	v9 =	vmul.f32 $2.560000000e+02, v9;
	v11 =	vmin.f32 v11, $8.191000000e+03  }
0x82: {  	v4 =	vtrunc.f32 v11;
	v11 =	vmin.f32 v5, $8.191000000e+03;
	(erf) = vpow2.f32 v14  }
0x83: {  	v20 =	vadd.f32 $1.600000000e+01, v12;
	v22 =	vmul.f32 $2.560000000e+02, v19;
	v5 =	vtrunc.f32 v8;
	v8 =	vpop (erf)  }
0x84: {  	v18 =	vmul.f32 $2.560000000e+02, v15;
	v12 =	vmax.f32 v9, $0.0e+00;
	v14 =	vmax.f32 v6, $0.0e+00;
	v6 =	vpop (erf)  }
0x85: {  	v4 =	vcvt.f32.s32 v4;
	v15 =	vmin.f32 v14, $8.191000000e+03;
	v14 =	vtrunc.f32 v11;
	v11 =	vpop (erf)  }
0x86: {  	v5 =	vcvt.f32.s32 v5;
	v15 =	vtrunc.f32 v15;
	v17 =	vadd.f32 v8, v7;
	v7 =	vpop (erf)  }
0x87: {  	v12 =	vmin.f32 v12, $8.191000000e+03;
	v14 =	vcvt.f32.s32 v14;
	v15 =	vcvt.f32.s32 v15;
	v16 =	vpop (erf)  }
0x88: {  	s22 =	simm.s32 $0x4F70;
	(erf) = vpow2.f32 v21;
	v19 =	vadd.f32 v7, v17;
	v17 =	vmax.f32 v22, $0.0e+00;
	v9 =	vpop (erf)  }
.LBB2_9:
0x89: {  	s21 =	sadd.s32 $0xA0, s21;
	v21 =	vld [tilespmem:s22+$0xFFFFFFB0];
	v18 =	vmax.f32 v18, $0.0e+00;
	v25 =	vtrunc.f32 v12;
	v26 =	vmul.f32 $2.560000000e+02, v20;
	v22 =	vpop (erf)  }
0x8a: {  	v13 =	vmul.f32 $2.560000000e+02, v13;
	v19 =	vadd.f32 v16, v19;
	v12 =	vmovc v16;
	v23 =	vld [tilespmem:s22+$0x20];
	s23 =	sand.u32 $0x7FE0, s21;
	p0 =	slt.u32 s21, $0x4D80;
	v24 =	vcvt.f32.s32 v25  }
0x8b: {  	v10 =	vmax.f32 v10, $0.0e+00;
	v16 =	vmin.f32 v18, $8.191000000e+03;
	v25 =	vld [tilespmem:s22+$0x0];
	v18 =	vmax.f32 v26, $0.0e+00;
	v20 =	vpop (erf)  }
0x8c: {  	v27 =	vmin.f32 v10, $8.191000000e+03;
	v13 =	vmax.f32 v13, $0.0e+00;
	v26 =	vld [tilespmem:s22+$0x40];
	v18 =	vmin.f32 v18, $8.191000000e+03  }
0x8d: {  	v10 =	vmin.f32 v13, $8.191000000e+03;
	v13 =	vmul.f32 $1.442695020e+00, v3;
	v18 =	vtrunc.f32 v18;
	v3 =	vld [tilespmem:s23+$0x4F00]  }
0x8e: {  	v19 =	vadd.f32 v22, v19;
	v10 =	vtrunc.f32 v10;
	v28 =	vmul.f32 $1.442695020e+00, v21;
	v29 =	vld [tilespmem:s22+$0xFFFFFFE0]  }
0x8f: {  	v32 =	vcvt.f32.s32 v10;
	v30 =	vld [tilespmem:s22+$0xFFFFFFF0];
	v31 =	vmul.f32 $1.442695020e+00, v23;
	v23 =	vadd.f32 $1.600000000e+01, v23  }
0x90: {  	v17 =	vmin.f32 v17, $8.191000000e+03;
	v19 =	vadd.f32 v11, v19;
	v33 =	vld [tilespmem:s22+$0xFFFFFFC0];
	(erf) = vpow2.f32 v28  }
0x91: {  	v34 =	vmul.f32 $1.442695020e+00, v25;
	v28 =	vld [tilespmem:s22+$0xFFFFFFD0];
	v10 =	vmul.f32 $2.560000000e+02, v23;
	v23 =	vadd.f32 $1.600000000e+01, v26;
	v35 =	vpop (erf)  }
0x92: {  	v27 =	vtrunc.f32 v27;
	v26 =	vmul.f32 $1.442695020e+00, v26;
	v36 =	vadd.f32 $1.600000000e+01, v3;
	[tilespmem:v14+s12+$0x0] =	vst.idx.add.f32.msk $0xffff, v35  }
0x93: {  	v14 =	vmul.f32 $2.560000000e+02, v23;
	[tilespmem:v24+s12+$0x0] =	vst.idx.add.f32.msk $0xffff, v11;
	v11 =	vadd.f32 v6, v19;
	(erf) = vpow2.f32 v13  }
0x94: {  	v19 =	vadd.f32 $1.600000000e+01, v29;
	v13 =	vmul.f32 $1.442695020e+00, v30;
	(erf) = vpow2.f32 v34;
	[tilespmem:v15+s12+$0x0] =	vst.idx.add.f32.msk $0xffff, v22  }
0x95: {  	v17 =	vtrunc.f32 v17;
	v15 =	vmul.f32 $1.442695020e+00, v33;
	v22 =	vld [tilespmem:s22+$0x10];
	v11 =	vadd.f32 v9, v11  }
0x96: {  	v23 =	vadd.f32 $1.600000000e+01, v33;
	v24 =	vmul.f32 $1.442695020e+00, v28;
	(erf) = vpow2.f32 v13;
	[tilespmem:v32+s12+$0x0] =	vst.idx.add.f32.msk $0xffff, v8  }
0x97: {  	v14 =	vmax.f32 v14, $0.0e+00;
	(erf) = vpow2.f32 v15;
	v15 =	vcvt.f32.s32 v27  }
0x98: {  	v17 =	vcvt.f32.s32 v17;
	v23 =	vmul.f32 $2.560000000e+02, v23;
	v27 =	vadd.f32 $1.600000000e+01, v30  }
0x99: {  	v13 =	vadd.f32 $1.600000000e+01, v21;
	v11 =	vadd.f32 v20, v11;
	v8 =	vpop (erf);
	(erf) = vpow2.f32 v24  }
0x9a: {  	v21 =	vmul.f32 $1.442695020e+00, v29;
	v30 =	vmul.f32 $1.442695020e+00, v22;
	v22 =	vadd.f32 $1.600000000e+01, v22  }
0x9b: {  	v16 =	vtrunc.f32 v16;
	v18 =	vcvt.f32.s32 v18;
	v28 =	vadd.f32 $1.600000000e+01, v28  }
0x9c: {  	v14 =	vmin.f32 v14, $8.191000000e+03;
	v22 =	vmul.f32 $2.560000000e+02, v22;
	(erf) = vpow2.f32 v30;
	v24 =	vpop (erf)  }
0x9d: {  	v19 =	vmul.f32 $2.560000000e+02, v19;
	v23 =	vmax.f32 v23, $0.0e+00;
	v29 =	vpop (erf);
	[tilespmem:v15+s12+$0x0] =	vst.idx.add.f32.msk $0xffff, v20;
	v15 =	vadd.f32 v24, v11  }
0x9e: {  	v23 =	vmin.f32 v23, $8.191000000e+03;
	v20 =	vmax.f32 v22, $0.0e+00;
	(erf) = vpow2.f32 v21;
	[tilespmem:v17+s12+$0x0] =	vst.idx.add.f32.msk $0xffff, v24  }
0x9f: {  	v17 =	vtrunc.f32 v23;
	v21 =	vcvt.f32.s32 v16;
	v20 =	vmin.f32 v20, $8.191000000e+03;
	v11 =	vpop (erf)  }
0xa0: {  	v15 =	vadd.f32 v35, v15;
	v20 =	vtrunc.f32 v20;
	v22 =	vpop (erf);
	(erf) = vpow2.f32 v31  }
0xa1: {  	v23 =	vcvt.f32.s32 v17;
	v17 =	vmax.f32 v19, $0.0e+00;
	v19 =	vcvt.f32.s32 v20;
	[tilespmem:v18+s12+$0x0] =	vst.idx.add.f32.msk $0xffff, v6;
	v6 =	vmovc v29  }
.Ltmp3:
0xa2: {  	v14 =	vtrunc.f32 v14;
	v17 =	vmin.f32 v17, $8.191000000e+03;
	v18 =	vmul.f32 $2.560000000e+02, v28;
	v16 =	vpop (erf);
	(pc) =	sbr.rel @p0 .LBB2_9-.Ltmp3, $4  }
0xa3: {  	v14 =	vcvt.f32.s32 v14;
	v24 =	vmul.f32 $2.560000000e+02, v27;
	v15 =	vadd.f32 v8, v15  }
0xa4: {  	v17 =	vtrunc.f32 v17;
	v20 =	vadd.f32 $1.600000000e+01, v25;
	v25 =	vmul.f32 $2.560000000e+02, v36;
	[tilespmem:v5+s12+$0x0] =	vst.idx.add.f32.msk $0xffff, v9;
	v5 =	vmovc v19  }
0xa5: {  	v19 =	vadd.f32 v22, v15;
	v15 =	vcvt.f32.s32 v17;
	v17 =	vmax.f32 v24, $0.0e+00;
	v9 =	vpop (erf);
	[tilespmem:v21+s12+$0x0] =	vst.idx.add.f32.msk $0xffff, v12  }
0xa6: {  	s22 =	sadd.s32 $0xA0, s22;
	v12 =	vmin.f32 v17, $8.191000000e+03;
	v17 =	vmax.f32 v25, $0.0e+00;
	(erf) = vpow2.f32 v26;
	[tilespmem:v4+s12+$0x0] =	vst.idx.add.f32.msk $0xffff, v7;
	v7 =	vmovc v22;
	v4 =	vmovc v23  }
0xa7: {  	v20 =	vmul.f32 $2.560000000e+02, v20;
	v13 =	vmul.f32 $2.560000000e+02, v13  }
0xa8: {  	v12 =	vtrunc.f32 v12;
	v19 =	vadd.f32 v16, v19;
	v3 =	vmul.f32 $1.442695020e+00, v3  }
0xa9: {  	v10 =	vmax.f32 v10, $0.0e+00;
	v17 =	vmin.f32 v17, $8.191000000e+03;
	v12 =	vcvt.f32.s32 v12  }
0xaa: {  	v21 =	vpop (erf);
	v17 =	vtrunc.f32 v17;
	v20 =	vmax.f32 v20, $0.0e+00;
	v13 =	vmax.f32 v13, $0.0e+00  }
0xab: {  	(erf) = vpow2.f32 v3;
	v3 =	vmin.f32 v10, $8.191000000e+03;
	v60 =	vadd.f32 v21, v19  }
0xac: {  	v13 =	vmin.f32 v13, $8.191000000e+03;
	v3 =	vtrunc.f32 v3;
	v20 =	vmin.f32 v20, $8.191000000e+03  }
0xad: {  	v10 =	vtrunc.f32 v13;
	v3 =	vcvt.f32.s32 v3;
	v13 =	vadd.f32 v11, v60  }
0xae: {  	v18 =	vmax.f32 v18, $0.0e+00;
	[tilespmem:v5+s12+$0x0] =	vst.idx.add.f32.msk $0xffff, v9;
	v20 =	vtrunc.f32 v20;
	v10 =	vcvt.f32.s32 v10  }
0xaf: {  	v18 =	vmin.f32 v18, $8.191000000e+03;
	v62 =	vcvt.f32.s32 v20;
	[tilespmem:v12+s12+$0x0] =	vst.idx.add.f32.msk $0xffff, v11;
	v11 =	vadd.f32 v6, v13  }
0xb0: {  	[tilespmem:v4+s12+$0x0] =	vst.idx.add.f32.msk $0xffff, v7;
	v61 =	vpop (erf);
	v17 =	vcvt.f32.s32 v17;
	v63 =	vtrunc.f32 v18  }
0xb1: {  	s20 =	sadd.s32 $0x1, s20;
	[tilespmem:v15+s12+$0x0] =	vst.idx.add.f32.msk $0xffff, v21;
	v12 =	vcvt.f32.s32 v63;
	v22 =	vpop (erf);
	v11 =	vadd.f32 v9, v11  }
0xb2: {  	p0 =	sne.s32 s20, $0x19;
	[tilespmem:v14+s12+$0x0] =	vst.idx.add.f32.msk $0xffff, v22  }
.Ltmp4:
0xb3: {  	[tilespmem:v3+s12+$0x0] =	vst.idx.add.f32.msk $0xffff, v61;
	v3 =	vadd.f32 v61, v11;
	(pc) =	sbr.rel @p0 .LBB2_6-.Ltmp4, $4  }
0xb4: {  	[tilespmem:v10+s12+$0x0] =	vst.idx.add.f32.msk $0xffff, v8;
	v8 =	vpop (erf)  }
0xb5: {  	[tilespmem:v62+s12+$0x0] =	vst.idx.add.f32.msk $0xffff, v6;
	v3 =	vadd.f32 v8, v3  }
0xb6: {  	[tilespmem:v17+s12+$0x0] =	vst.idx.add.f32.msk $0xffff, v8  }
0xb7: {  	[tilespmem:v12+s12+$0x0] =	vst.idx.add.f32.msk $0xffff, v16;
	v8 =	vadd.f32 v22, v3  }
0xb8: {  	_ = 	snop  }
0xb9: {  	(xrf2) =	vadd.scan.msk.f32 $0xffff, v8;
	_ =	sdelay $0x9  }
0xba: {  	v3, _, _ =	vpop (xrf2)  }
0xbb: {  	(v2sf) =	vpush v3, $0xF;
	_ =	sdelay $0xe  }
0xbc: {  	s20 =	spop (v2sf)  }
0xbd: {  	s24 =	simm.s32 $0x0;
	s20 =	smul.f32 $8.999999760e-01, s20  }
0xbe: {  	s21 =	simm.f32 $0.0e+00;
	s23 =	simm.s32 $0x80001FEF;
	s25 =	simm.s32 $0x159F0  }
0xbf: {  	s22 =	simm.f32 $0.0e+00;
	s26 =	simm.s32 $0x0;
	s28 =	simm.f32 $0.0e+00;
	v3 =	vmov s20  }
.LBB2_12:
0xc0: {  	v4 =	vld [tilespmem:s25+$0x0];
	_ =	sdelay $0x4  }
0xc1: {  	v5 =	vperm.xlane v4, v2;
	_ =	sdelay $0x1  }
0xc2: {  	(xrf2) =	vadd.scan.msk.f32 $0xffff, v5;
	_ =	sdelay $0x9  }
0xc3: {  	v5, _, _ =	vpop (xrf2)  }
0xc4: {  	v5 =	vperm.xlane v5, v2;
	_ =	sdelay $0x1  }
0xc5: {  	v5 =	vadd.f32 s28, v5;
	_ =	sdelay $0x1  }
0xc6: {  	vm0 =	vgt.f32 v5, v3  }
0xc7: {  	v6 =	vmpcnt.ones.xlane vm0;
	_ =	sdelay $0x1  }
0xc8: {  	v6 =	vxor.u32 $0x80000000, v6  }
0xc9: {  	(xrf0) =	vmax.scan.msk.u32 $0xffff, v6;
	_ =	sdelay $0x5  }
0xca: {  	v6, _, _ =	vpop (xrf0)  }
0xcb: {  	(v2sf) =	vpush v6, $0xF;
	_ =	sdelay $0xe  }
0xcc: {  	s29 =	spop (v2sf)  }
0xcd: {  	s28 =	sadd.s32 $0x7FFFFFFF, s29  }
0xce: {  	v63 =	vmov s28  }
0xcf: {  	vm15 =	veq.s32 v63, v0  }
0xd0: {  	v6 =	vnsel vm15, $0x0, v5  }
0xd1: {  	v4 =	vnsel vm15, $0x0, v4;
	(xrf2) =	vadd.scan.msk.f32 $0xffff, v6  }
0xd2: {  	(xrf2) =	vadd.scan.msk.f32 $0xffff, v4;
	_ =	sdelay $0x4  }
0xd3: {  	(xrf0) =	vmax.scan.msk.f32 $0xffff, v5;
	_ =	sdelay $0x3  }
0xd4: {  	v4, _, _ =	vpop (xrf2)  }
0xd5: {  	(v2sf) =	vpush v4, $0xF;
	v4, _, _ =	vpop (xrf2)  }
0xd6: {  	(v2sf) =	vpush v4, $0xF;
	v4, _, _ =	vpop (xrf0)  }
0xd7: {  	(v2sf) =	vpush v4, $0xF;
	_ =	sdelay $0x7  }
0xd8: {  	p1 =	seq.s32 s26, $0x0;
	p0 =	sgt.u32 s29, $0x80000000  }
0xd9: {  	s31 =	simm.s32 $0x1;
	p1 =	por !p1, !p0  }
0xda: {  	s31 =	simm.s32 @!p0 $0x0;
	p0 =	por !p1, !p1;
	p1 =	sne.s32 s23, $0x7FFFFFFF  }
.Ltmp5:
0xdb: {  	_ = 	snop;
	(pc) =	sbr.rel @p1 .LBB2_12-.Ltmp5, $4  }
0xdc: {  	s25 =	sadd.s32 $0xFFFFFFF0, s25  }
0xdd: {  	s29 =	sadd.s32 s23, s29;
	s26 =	sor.u32 s31, s26;
	s30 =	spop (v2sf)  }
0xde: {  	s23 =	sadd.s32 $0xFFFFFFF0, s23;
	s24 =	smov.u32 @p0 s29;
	s1 =	spop (v2sf)  }
0xdf: {  	s22 =	smov.u32 @p0 s30;
	s28 =	spop (v2sf);
	s21 =	smov.u32 @p0 s1  }
0xe0: {  	s1 =	scvt.s32.f32 s24;
	_ =	sdelay $0x1  }
0xe1: {  	s1 =	smul.f32 $3.906250000e-03, s1;
	_ =	sdelay $0x1  }
0xe2: {  	s1 =	sadd.f32 $-1.600000000e+01, s1  }
0xe3: {  	s23 =	simm.s32 $0x0  }
0xe4: {  	v4 =	vmov s24;
	[tilespmem:s23], [sflag:$0x1] =	stream.linear.gather [hbm4b:s6+s23], $0x4E20, $0x38;
	v3 =	vmov s1;
	[tilespmem:$0x16A00] =	vst v63  }
.LBB2_14:
0xe5: {  	s24 =	smul.u32 $0x9C40, s23;
	_ =	sdelay $0x1  }
0xe6: {  	s1 =	sadd.s32 s24, s7  }
0xe7: {  	s1 =	sshrl.u32 s1, $0x3  }
0xe8: {  	s1 =	sadd.s32 s4, s1  }
0xe9: {  	[tilespmem:s10], [sflag:$0x2] =	stream.linear.gather [hbm4b:s1+s2], $0x4E20, $0x38;
	[tilespmem:$0x16A00] =	vst v63  }
0xea: {  	_ =	swait.ge [sflag:s11], $0x4E20  }
0xeb: {  	[sflag:s11] =	ssyncset.done $0x0  }
0xec: {  	s31 =	simm.s32 $0x50;
	[sflag:s11] =	ssyncadd.s32 $0xFFFFB1E0  }
0xed: {  	v5 =	vld [tilespmem:s31+$0xFFFFFFB0]  }
0xee: {  	v7 =	vld [tilespmem:s31+$0xFFFFFFC0]  }
0xef: {  	v6 =	vld [tilespmem:s31+$0x20]  }
0xf0: {  	v8 =	vld [tilespmem:s31+$0x0]  }
0xf1: {  	v10 =	vld [tilespmem:s31+$0xFFFFFFD0]  }
0xf2: {  	s25 =	simm.s32 $0x0;
	v12 =	vld [tilespmem:s31+$0x10]  }
0xf3: {  	s26 =	sand.u32 $0x7FE0, s25;
	v13 =	vld [tilespmem:s31+$0xFFFFFFE0]  }
0xf4: {  	v19 =	vld [tilespmem:s26+$0x80];
	v9 =	vsub.f32 v5, v3;
	v11 =	vadd.f32 $1.600000000e+01, v5  }
0xf5: {  	v5 =	vmul.f32 $1.442695020e+00, v5;
	v14 =	vmul.f32 $1.442695020e+00, v7;
	v17 =	vadd.f32 $1.600000000e+01, v7  }
0xf6: {  	v15 =	vmul.f32 $1.442695020e+00, v6;
	v20 =	vadd.f32 $1.600000000e+01, v10;
	v21 =	vsub.f32 v6, v3  }
0xf7: {  	v18 =	vmul.f32 $1.442695020e+00, v8;
	v22 =	vadd.f32 $1.600000000e+01, v8;
	v23 =	vadd.f32 $1.600000000e+01, v6  }
0xf8: {  	v6 =	vmul.f32 $1.442695020e+00, v12;
	v25 =	vadd.f32 $1.600000000e+01, v12;
	v26 =	vmul.f32 $1.442695020e+00, v13  }
0xf9: {  	v27 =	vadd.f32 $1.600000000e+01, v13;
	v28 =	vadd.f32 $1.600000000e+01, v19;
	v9 =	vmul.f32 $1.048576000e+06, v9  }
0xfa: {  	v13 =	vsub.f32 v13, v3;
	v11 =	vmul.f32 $2.560000000e+02, v11;
	(erf) = vpow2.f32 v14  }
0xfb: {  	v24 =	vld [tilespmem:s31+$0x40];
	v29 =	vsub.f32 v10, v3;
	v14 =	vmul.f32 $1.442695020e+00, v10;
	v20 =	vmul.f32 $2.560000000e+02, v20  }
0xfc: {  	v16 =	vld [tilespmem:s31+$0xFFFFFFF0];
	v7 =	vsub.f32 v7, v3;
	v22 =	vmul.f32 $2.560000000e+02, v22;
	v21 =	vmul.f32 $1.048576000e+06, v21  }
0xfd: {  	v8 =	vsub.f32 v8, v3;
	v25 =	vmul.f32 $2.560000000e+02, v25;
	v10 =	vmul.f32 $2.560000000e+02, v28  }
0xfe: {  	v12 =	vsub.f32 v12, v3;
	v27 =	vmul.f32 $2.560000000e+02, v27;
	v13 =	vmul.f32 $1.048576000e+06, v13  }
0xff: {  	v7 =	vmul.f32 $1.048576000e+06, v7;
	v23 =	vmul.f32 $2.560000000e+02, v23  }
0x100: {  	v61 =	vadd.f32 $1.600000000e+01, v24;
	v8 =	vmul.f32 $1.048576000e+06, v8;
	v12 =	vmul.f32 $1.048576000e+06, v12  }
0x101: {  	(erf) = vpow2.f32 v15;
	v15 =	vadd.f32 $1.600000000e+01, v16;
	v9 =	vmax.f32 v9, $0.0e+00  }
0x102: {  	v11 =	vmax.f32 v11, $0.0e+00;
	v22 =	vmax.f32 v22, $0.0e+00;
	(erf) = vpow2.f32 v6  }
0x103: {  	v27 =	vmax.f32 v27, $0.0e+00;
	v20 =	vmax.f32 v20, $0.0e+00;
	v7 =	vmax.f32 v7, $0.0e+00  }
0x104: {  	v9 =	vmin.f32 v9, $4.095000000e+03;
	v6 =	vmin.f32 v11, $8.191000000e+03;
	v11 =	vmul.f32 $2.560000000e+02, v15  }
0x105: {  	v15 =	vmul.f32 $1.442695020e+00, v19;
	(erf) = vpow2.f32 v14;
	v14 =	vmin.f32 v22, $8.191000000e+03  }
0x106: {  	v22 =	vmul.f32 $1.442695020e+00, v24;
	v20 =	vmin.f32 v20, $8.191000000e+03;
	v11 =	vmax.f32 v11, $0.0e+00  }
0x107: {  	v6 =	vtrunc.f32 v6;
	v9 =	vtrunc.f32 v9;
	v11 =	vmin.f32 v11, $8.191000000e+03  }
0x108: {  	(erf) = vpow2.f32 v15;
	v15 =	vsub.f32 v16, v3;
	v11 =	vtrunc.f32 v11  }
0x109: {  	v8 =	vmax.f32 v8, $0.0e+00;
	v20 =	vtrunc.f32 v20;
	v11 =	vcvt.f32.s32 v11  }
0x10a: {  	v7 =	vmin.f32 v7, $4.095000000e+03;
	(erf) = vpow2.f32 v22;
	v15 =	vmul.f32 $1.048576000e+06, v15  }
0x10b: {  	vm0 =	veq.s32 v4, v11;
	v11 =	vtrunc.f32 v14;
	v14 =	vmul.f32 $1.442695020e+00, v16  }
0x10c: {  	(erf) = vpow2.f32 v26;
	v15 =	vmax.f32 v15, $0.0e+00;
	v16 =	vsub.f32 v19, v3  }
0x10d: {  	v19 =	vmax.f32 v21, $0.0e+00;
	v15 =	vmin.f32 v15, $4.095000000e+03;
	(erf) = vpow2.f32 v14  }
0x10e: {  	v14 =	vmul.f32 $2.560000000e+02, v17;
	(erf) = vpow2.f32 v5;
	v5 =	vmax.f32 v13, $0.0e+00  }
0x10f: {  	v13 =	vtrunc.f32 v15;
	v15 =	vmin.f32 v8, $4.095000000e+03;
	v8 =	vmax.f32 v25, $0.0e+00  }
0x110: {  	v14 =	vmax.f32 v14, $0.0e+00;
	v25 =	vcvt.f32.s32 v13;
	v8 =	vmin.f32 v8, $8.191000000e+03  }
0x111: {  	v13 =	vmax.f32 v10, $0.0e+00;
	v10 =	vcvt.f32.s32 v9;
	v9 =	vmin.f32 v27, $8.191000000e+03  }
0x112: {  	v11 =	vcvt.f32.s32 v11;
	v26 =	vmin.f32 v14, $8.191000000e+03;
	v9 =	vtrunc.f32 v9  }
0x113: {  	v21 =	vtrunc.f32 v8;
	v14 =	vmin.f32 v19, $4.095000000e+03;
	v8 =	vpop (erf);
	(erf) = vpow2.f32 v18  }
0x114: {  	v27 =	vmin.f32 v5, $4.095000000e+03;
	v18 =	vtrunc.f32 v7;
	v7 =	vtrunc.f32 v14;
	v5 =	vpop (erf)  }
0x115: {  	v24 =	vsub.f32 v24, v3;
	v32 =	vcvt.f32.s32 v20;
	v19 =	vcvt.f32.s32 v9;
	v9 =	vpop (erf)  }
0x116: {  	v16 =	vmul.f32 $1.048576000e+06, v16;
	v15 =	vtrunc.f32 v15;
	v62 =	vmin.f32 v13, $8.191000000e+03;
	v13 =	vpop (erf)  }
0x117: {  	vm2 =	veq.s32 v4, v11;
	v30 =	vcvt.f32.s32 v15;
	v14 =	vcvt.f32.s32 v7;
	v7 =	vpop (erf)  }
0x118: {  	v24 =	vmul.f32 $1.048576000e+06, v24;
	v26 =	vtrunc.f32 v26;
	v11 =	vpop (erf)  }
0x119: {  	v17 =	vmul.f32 $2.560000000e+02, v61;
	v26 =	vcvt.f32.s32 v26;
	v15 =	vpop (erf)  }
0x11a: {  	v63 =	vmax.f32 v16, $0.0e+00;
	v27 =	vtrunc.f32 v27;
	v22 =	vcvt.f32.s32 v21;
	v31 =	vpop (erf)  }
0x11b: {  	v21 =	vtrunc.f32 v62;
	vm1 =	veq.s32 v4, v26;
	v26 =	vmul.f32 $1.048576000e+06, v29;
	v16 =	vpop (erf)  }
0x11c: {  	v20 =	vcvt.f32.s32 v27;
	v18 =	vcvt.f32.s32 v18;
	[tilespmem:v25+s14+$0x0] =	vst.idx.add.f32.msk vm0, v31;
	v25 =	vmax.f32 v23, $0.0e+00;
	v23 =	vpop (erf)  }
0x11d: {  	s26 =	simm.s32 $0xF0;
	v26 =	vmax.f32 v26, $0.0e+00;
	vm0 =	veq.s32 v4, v32;
	[tilespmem:v30+s14+$0x0] =	vst.idx.add.f32.msk vm2, v23;
	v23 =	vmin.f32 v63, $4.095000000e+03  }
.LBB2_15:
0x11e: {  	s25 =	sadd.s32 $0xA0, s25;
	v27 =	vld [tilespmem:s26+$0xFFFFFFC0];
	v26 =	vmin.f32 v26, $4.095000000e+03;
	v28 =	vmax.f32 v12, $0.0e+00;
	v17 =	vmax.f32 v17, $0.0e+00  }
0x11f: {  	vm2 =	veq.s32 v4, v22;
	v12 =	vld [tilespmem:s26+$0x10];
	s1 =	sand.u32 $0x7FE0, s25;
	p0 =	slt.u32 s25, $0x4D80;
	v26 =	vtrunc.f32 v26;
	v28 =	vmin.f32 v28, $4.095000000e+03  }
0x120: {  	v17 =	vmin.f32 v17, $8.191000000e+03;
	v22 =	vld [tilespmem:s26+$0xFFFFFFB0];
	v26 =	vcvt.f32.s32 v26;
	v28 =	vtrunc.f32 v28  }
0x121: {  	v25 =	vmin.f32 v25, $8.191000000e+03;
	v17 =	vtrunc.f32 v17;
	v29 =	vld [tilespmem:s26+$0x0];
	v28 =	vcvt.f32.s32 v28  }
0x122: {  	vm3 =	veq.s32 v4, v19;
	v19 =	vtrunc.f32 v25;
	v17 =	vcvt.f32.s32 v17;
	v30 =	vld [tilespmem:s26+$0xFFFFFFE0]  }
0x123: {  	[tilespmem:v18+s14+$0x0] =	vst.idx.add.f32.msk vm1, v8;
	v8 =	vcvt.f32.s32 v19;
	v18 =	vcvt.f32.s32 v21;
	v19 =	vmax.f32 v24, $0.0e+00  }
0x124: {  	v6 =	vcvt.f32.s32 v6;
	v23 =	vtrunc.f32 v23;
	v21 =	vld [tilespmem:s26+$0x20];
	v19 =	vmin.f32 v19, $4.095000000e+03  }
0x125: {  	v24 =	vmul.f32 $1.442695020e+00, v22;
	v25 =	vsub.f32 v22, v3;
	v31 =	vld [tilespmem:s26+$0xFFFFFFD0];
	v19 =	vtrunc.f32 v19  }
0x126: {  	vm1 =	veq.s32 v4, v6;
	v6 =	vcvt.f32.s32 v23;
	v22 =	vadd.f32 $1.600000000e+01, v22;
	[tilespmem:v26+s14+$0x0] =	vst.idx.add.f32.msk vm0, v13  }
0x127: {  	v13 =	vmul.f32 $1.048576000e+06, v25;
	[tilespmem:v28+s14+$0x0] =	vst.idx.add.f32.msk vm2, v9;
	vm2 =	veq.s32 v4, v8;
	v8 =	vcvt.f32.s32 v19  }
0x128: {  	vm0 =	veq.s32 v4, v18;
	v9 =	vmul.f32 $2.560000000e+02, v22;
	[tilespmem:v20+s14+$0x0] =	vst.idx.add.f32.msk vm3, v15;
	vm3 =	veq.s32 v4, v17  }
0x129: {  	v15 =	vmul.f32 $1.442695020e+00, v27;
	v13 =	vmax.f32 v13, $0.0e+00;
	v17 =	vld [tilespmem:s26+$0xFFFFFFF0];
	v19 =	vmul.f32 $1.442695020e+00, v21  }
0x12a: {  	v22 =	vmul.f32 $1.442695020e+00, v29;
	v20 =	vadd.f32 $1.600000000e+01, v27;
	v9 =	vmax.f32 v9, $0.0e+00;
	v23 =	vld [tilespmem:s1+$0x80]  }
0x12b: {  	v26 =	vsub.f32 v21, v3;
	v25 =	vadd.f32 $1.600000000e+01, v31;
	v18 =	vld [tilespmem:s26+$0x40];
	(erf) = vpow2.f32 v15  }
0x12c: {  	v28 =	vadd.f32 $1.600000000e+01, v29;
	v21 =	vadd.f32 $1.600000000e+01, v21;
	v15 =	vmul.f32 $1.442695020e+00, v31;
	[tilespmem:v10+s14+$0x0] =	vst.idx.add.f32.msk vm1, v16  }
0x12d: {  	v10 =	vmin.f32 v13, $4.095000000e+03;
	v13 =	vmul.f32 $2.560000000e+02, v25;
	v16 =	vmul.f32 $1.442695020e+00, v12;
	[tilespmem:v14+s14+$0x0] =	vst.idx.add.f32.msk vm2, v5  }
0x12e: {  	v25 =	vmul.f32 $1.048576000e+06, v26;
	v5 =	vmul.f32 $2.560000000e+02, v28;
	v14 =	vadd.f32 $1.600000000e+01, v12;
	[tilespmem:v8+s14+$0x0] =	vst.idx.add.f32.msk vm3, v11  }
0x12f: {  	v11 =	vmul.f32 $1.442695020e+00, v30;
	v8 =	vadd.f32 $1.600000000e+01, v30;
	(erf) = vpow2.f32 v19;
	[tilespmem:v6+s14+$0x0] =	vst.idx.add.f32.msk vm0, v7  }
0x130: {  	v6 =	vadd.f32 $1.600000000e+01, v17;
	v5 =	vmax.f32 v5, $0.0e+00;
	v7 =	vadd.f32 $1.600000000e+01, v23  }
0x131: {  	v19 =	vsub.f32 v30, v3;
	v14 =	vmul.f32 $2.560000000e+02, v14;
	(erf) = vpow2.f32 v16  }
0x132: {  	v9 =	vmin.f32 v9, $8.191000000e+03;
	v6 =	vmul.f32 $2.560000000e+02, v6;
	v16 =	vmul.f32 $1.442695020e+00, v23  }
0x133: {  	v26 =	vsub.f32 v31, v3;
	v30 =	vadd.f32 $1.600000000e+01, v18;
	v28 =	vmul.f32 $2.560000000e+02, v7  }
0x134: {  	v7 =	vmul.f32 $2.560000000e+02, v8;
	v6 =	vmax.f32 v6, $0.0e+00;
	v8 =	vpop (erf);
	(erf) = vpow2.f32 v15  }
0x135: {  	v15 =	vmul.f32 $1.048576000e+06, v19;
	v19 =	vmin.f32 v5, $8.191000000e+03;
	(erf) = vpow2.f32 v16  }
0x136: {  	v31 =	vmul.f32 $1.442695020e+00, v18;
	v34 =	vmin.f32 v6, $8.191000000e+03;
	v16 =	vsub.f32 v17, v3  }
0x137: {  	v33 =	vsub.f32 v27, v3;
	v6 =	vtrunc.f32 v9;
	v32 =	vtrunc.f32 v34  }
0x138: {  	v10 =	vtrunc.f32 v10;
	v27 =	vmax.f32 v7, $0.0e+00;
	v7 =	vcvt.f32.s32 v32;
	v5 =	vpop (erf)  }
0x139: {  	v29 =	vsub.f32 v29, v3;
	v32 =	vmul.f32 $1.048576000e+06, v33;
	(erf) = vpow2.f32 v31  }
0x13a: {  	v19 =	vtrunc.f32 v19;
	vm0 =	veq.s32 v4, v7;
	v31 =	vmax.f32 v13, $0.0e+00;
	v9 =	vpop (erf)  }
0x13b: {  	v34 =	vmul.f32 $1.442695020e+00, v17;
	v33 =	vmul.f32 $2.560000000e+02, v21;
	v32 =	vmax.f32 v32, $0.0e+00  }
0x13c: {  	v17 =	vsub.f32 v23, v3;
	v16 =	vmul.f32 $1.048576000e+06, v16;
	(erf) = vpow2.f32 v11  }
0x13d: {  	v21 =	vmax.f32 v25, $0.0e+00;
	v11 =	vmul.f32 $1.048576000e+06, v29;
	v13 =	vpop (erf);
	(erf) = vpow2.f32 v34  }
0x13e: {  	v20 =	vmul.f32 $2.560000000e+02, v20;
	v23 =	vmul.f32 $1.048576000e+06, v17;
	v16 =	vmax.f32 v16, $0.0e+00;
	v7 =	vpop (erf)  }
0x13f: {  	v17 =	vmul.f32 $2.560000000e+02, v30;
	v16 =	vmin.f32 v16, $4.095000000e+03;
	(erf) = vpow2.f32 v24  }
0x140: {  	v15 =	vmax.f32 v15, $0.0e+00;
	v29 =	vmax.f32 v11, $0.0e+00;
	v24 =	vcvt.f32.s32 v19  }
0x141: {  	v16 =	vtrunc.f32 v16;
	v25 =	vmin.f32 v29, $4.095000000e+03;
	v19 =	vmax.f32 v14, $0.0e+00  }
0x142: {  	v14 =	vmax.f32 v20, $0.0e+00;
	v20 =	vcvt.f32.s32 v16;
	v16 =	vmin.f32 v19, $8.191000000e+03;
	v11 =	vpop (erf)  }
0x143: {  	v29 =	vmin.f32 v14, $8.191000000e+03;
	v14 =	vmax.f32 v28, $0.0e+00;
	v30 =	vtrunc.f32 v16  }
0x144: {  	v10 =	vcvt.f32.s32 v10;
	v16 =	vmin.f32 v27, $8.191000000e+03;
	v27 =	vmin.f32 v15, $4.095000000e+03  }
0x145: {  	v21 =	vmin.f32 v21, $4.095000000e+03;
	v16 =	vtrunc.f32 v16;
	v15 =	vpop (erf);
	(erf) = vpow2.f32 v22  }
0x146: {  	v35 =	vtrunc.f32 v25;
	v19 =	vcvt.f32.s32 v16;
	v22 =	vmin.f32 v32, $4.095000000e+03;
	v25 =	vpop (erf)  }
0x147: {  	v21 =	vtrunc.f32 v21;
	v32 =	vmin.f32 v14, $8.191000000e+03;
	v28 =	vtrunc.f32 v22  }
0x148: {  	v31 =	vmin.f32 v31, $8.191000000e+03;
	v34 =	vcvt.f32.s32 v35;
	v14 =	vcvt.f32.s32 v21;
	v16 =	vpop (erf)  }
0x149: {  	vm2 =	veq.s32 v4, v24;
	v22 =	vcvt.f32.s32 v30;
	v21 =	vtrunc.f32 v32;
	[tilespmem:v20+s14+$0x0] =	vst.idx.add.f32.msk vm0, v25  }
0x14a: {  	v12 =	vsub.f32 v12, v3;
	v24 =	vtrunc.f32 v27;
	v20 =	vtrunc.f32 v29  }
.Ltmp6:
0x14b: {  	v23 =	vmax.f32 v23, $0.0e+00;
	v25 =	vcvt.f32.s32 v20;
	v20 =	vtrunc.f32 v31;
	(pc) =	sbr.rel @p0 .LBB2_15-.Ltmp6, $4  }
0x14c: {  	v27 =	vcvt.f32.s32 v20;
	v20 =	vcvt.f32.s32 v24;
	v24 =	vsub.f32 v18, v3  }
0x14d: {  	v26 =	vmul.f32 $1.048576000e+06, v26;
	v18 =	vcvt.f32.s32 v28;
	vm1 =	veq.s32 v4, v25  }
0x14e: {  	v12 =	vmul.f32 $1.048576000e+06, v12;
	v25 =	vmax.f32 v33, $0.0e+00;
	v24 =	vmul.f32 $1.048576000e+06, v24;
	v28 =	vpop (erf)  }
0x14f: {  	s26 =	sadd.s32 $0xA0, s26;
	v26 =	vmax.f32 v26, $0.0e+00;
	v23 =	vmin.f32 v23, $4.095000000e+03;
	vm0 =	veq.s32 v4, v27;
	[tilespmem:v34+s14+$0x0] =	vst.idx.add.f32.msk vm2, v28  }
0x150: {  	v26 =	vmin.f32 v26, $4.095000000e+03;
	v12 =	vmax.f32 v12, $0.0e+00  }
0x151: {  	v17 =	vmax.f32 v17, $0.0e+00;
	v25 =	vmin.f32 v25, $8.191000000e+03;
	vm2 =	veq.s32 v4, v22  }
0x152: {  	v6 =	vcvt.f32.s32 v6;
	v26 =	vtrunc.f32 v26;
	v12 =	vmin.f32 v12, $4.095000000e+03  }
0x153: {  	v17 =	vmin.f32 v17, $8.191000000e+03;
	v22 =	vtrunc.f32 v25;
	v26 =	vcvt.f32.s32 v26  }
0x154: {  	vm3 =	veq.s32 v4, v19;
	v12 =	vtrunc.f32 v12;
	v17 =	vtrunc.f32 v17  }
0x155: {  	v19 =	vcvt.f32.s32 v22;
	v22 =	vmax.f32 v24, $0.0e+00;
	vm4 =	veq.s32 v4, v6  }
0x156: {  	v12 =	vcvt.f32.s32 v12;
	v17 =	vcvt.f32.s32 v17;
	v22 =	vmin.f32 v22, $4.095000000e+03  }
0x157: {  	v6 =	vcvt.f32.s32 v21;
	v21 =	vtrunc.f32 v22;
	vm5 =	veq.s32 v4, v19  }
0x158: {  	[tilespmem:v18+s14+$0x0] =	vst.idx.add.f32.msk vm1, v8;
	v8 =	vtrunc.f32 v23;
	v18 =	vcvt.f32.s32 v21;
	vm1 =	veq.s32 v4, v17  }
0x159: {  	v8 =	vcvt.f32.s32 v8;
	[tilespmem:v26+s14+$0x0] =	vst.idx.add.f32.msk vm0, v13;
	vm0 =	veq.s32 v4, v6  }
0x15a: {  	[tilespmem:v20+s14+$0x0] =	vst.idx.add.f32.msk vm3, v15  }
0x15b: {  	[tilespmem:v10+s14+$0x0] =	vst.idx.add.f32.msk vm4, v16  }
0x15c: {  	p0 =	seq.s32 s23, $0x18;
	[tilespmem:v12+s14+$0x0] =	vst.idx.add.f32.msk vm2, v9  }
0x15d: {  	s1 =	sadd.s32 @!p0 s24, s8;
	[tilespmem:v14+s14+$0x0] =	vst.idx.add.f32.msk vm5, v5  }
0x15e: {  	s1 =	sshrl.u32 @!p0 s1, $0x3;
	[tilespmem:v18+s14+$0x0] =	vst.idx.add.f32.msk vm1, v11  }
0x15f: {  	s24 =	simm.s32 @!p0 $0x0;
	s1 =	sadd.s32 @!p0 s4, s1;
	[tilespmem:v8+s14+$0x0] =	vst.idx.add.f32.msk vm0, v7  }
0x160: {  	[tilespmem:s24], [sflag:$0x1] =	stream.linear.gather @!p0 [hbm4b:s1+s24], $0x4E20, $0x38;
	[tilespmem:$0x16A00] =	vst v63  }
0x161: {  	_ =	swait.ge [sflag:s13], $0x4E20  }
0x162: {  	[sflag:s13] =	ssyncset.done $0x0  }
0x163: {  	s31 =	simm.s32 $0x4ED0;
	[sflag:s13] =	ssyncadd.s32 $0xFFFFB1E0  }
0x164: {  	v5 =	vld [tilespmem:s31+$0xFFFFFFB0]  }
0x165: {  	v7 =	vld [tilespmem:s31+$0xFFFFFFC0]  }
0x166: {  	v6 =	vld [tilespmem:s31+$0x20]  }
0x167: {  	v8 =	vld [tilespmem:s31+$0x0]  }
0x168: {  	v10 =	vld [tilespmem:s31+$0xFFFFFFD0]  }
0x169: {  	s24 =	simm.s32 $0x0;
	v12 =	vld [tilespmem:s31+$0x10]  }
0x16a: {  	s25 =	sand.u32 $0x7FE0, s24;
	v13 =	vld [tilespmem:s31+$0xFFFFFFE0]  }
0x16b: {  	v19 =	vld [tilespmem:s25+$0x4F00];
	v9 =	vsub.f32 v5, v3;
	v11 =	vadd.f32 $1.600000000e+01, v5  }
0x16c: {  	v5 =	vmul.f32 $1.442695020e+00, v5;
	v14 =	vmul.f32 $1.442695020e+00, v7;
	v17 =	vadd.f32 $1.600000000e+01, v7  }
0x16d: {  	v15 =	vmul.f32 $1.442695020e+00, v6;
	v20 =	vadd.f32 $1.600000000e+01, v10;
	v21 =	vsub.f32 v6, v3  }
0x16e: {  	v18 =	vmul.f32 $1.442695020e+00, v8;
	v22 =	vadd.f32 $1.600000000e+01, v8;
	v23 =	vadd.f32 $1.600000000e+01, v6  }
0x16f: {  	v6 =	vmul.f32 $1.442695020e+00, v12;
	v25 =	vadd.f32 $1.600000000e+01, v12;
	v26 =	vmul.f32 $1.442695020e+00, v13  }
0x170: {  	v27 =	vadd.f32 $1.600000000e+01, v13;
	v28 =	vadd.f32 $1.600000000e+01, v19;
	v9 =	vmul.f32 $1.048576000e+06, v9  }
0x171: {  	v13 =	vsub.f32 v13, v3;
	v11 =	vmul.f32 $2.560000000e+02, v11;
	(erf) = vpow2.f32 v14  }
0x172: {  	v24 =	vld [tilespmem:s31+$0x40];
	v29 =	vsub.f32 v10, v3;
	v14 =	vmul.f32 $1.442695020e+00, v10;
	v20 =	vmul.f32 $2.560000000e+02, v20  }
0x173: {  	v16 =	vld [tilespmem:s31+$0xFFFFFFF0];
	v7 =	vsub.f32 v7, v3;
	v22 =	vmul.f32 $2.560000000e+02, v22;
	v21 =	vmul.f32 $1.048576000e+06, v21  }
0x174: {  	v8 =	vsub.f32 v8, v3;
	v25 =	vmul.f32 $2.560000000e+02, v25;
	v10 =	vmul.f32 $2.560000000e+02, v28  }
0x175: {  	v12 =	vsub.f32 v12, v3;
	v27 =	vmul.f32 $2.560000000e+02, v27;
	v13 =	vmul.f32 $1.048576000e+06, v13  }
0x176: {  	v7 =	vmul.f32 $1.048576000e+06, v7;
	v23 =	vmul.f32 $2.560000000e+02, v23  }
0x177: {  	v61 =	vadd.f32 $1.600000000e+01, v24;
	v8 =	vmul.f32 $1.048576000e+06, v8;
	v12 =	vmul.f32 $1.048576000e+06, v12  }
0x178: {  	(erf) = vpow2.f32 v15;
	v15 =	vadd.f32 $1.600000000e+01, v16;
	v9 =	vmax.f32 v9, $0.0e+00  }
0x179: {  	v11 =	vmax.f32 v11, $0.0e+00;
	v22 =	vmax.f32 v22, $0.0e+00;
	(erf) = vpow2.f32 v6  }
0x17a: {  	v27 =	vmax.f32 v27, $0.0e+00;
	v20 =	vmax.f32 v20, $0.0e+00;
	v7 =	vmax.f32 v7, $0.0e+00  }
0x17b: {  	v9 =	vmin.f32 v9, $4.095000000e+03;
	v6 =	vmin.f32 v11, $8.191000000e+03;
	v11 =	vmul.f32 $2.560000000e+02, v15  }
0x17c: {  	v15 =	vmul.f32 $1.442695020e+00, v19;
	(erf) = vpow2.f32 v14;
	v14 =	vmin.f32 v22, $8.191000000e+03  }
0x17d: {  	v22 =	vmul.f32 $1.442695020e+00, v24;
	v20 =	vmin.f32 v20, $8.191000000e+03;
	v11 =	vmax.f32 v11, $0.0e+00  }
0x17e: {  	v6 =	vtrunc.f32 v6;
	v9 =	vtrunc.f32 v9;
	v11 =	vmin.f32 v11, $8.191000000e+03  }
0x17f: {  	(erf) = vpow2.f32 v15;
	v15 =	vsub.f32 v16, v3;
	v11 =	vtrunc.f32 v11  }
0x180: {  	v8 =	vmax.f32 v8, $0.0e+00;
	v20 =	vtrunc.f32 v20;
	v11 =	vcvt.f32.s32 v11  }
0x181: {  	v7 =	vmin.f32 v7, $4.095000000e+03;
	(erf) = vpow2.f32 v22;
	v15 =	vmul.f32 $1.048576000e+06, v15  }
0x182: {  	vm0 =	veq.s32 v4, v11;
	v11 =	vtrunc.f32 v14;
	v14 =	vmul.f32 $1.442695020e+00, v16  }
0x183: {  	(erf) = vpow2.f32 v26;
	v15 =	vmax.f32 v15, $0.0e+00;
	v16 =	vsub.f32 v19, v3  }
0x184: {  	v19 =	vmax.f32 v21, $0.0e+00;
	v15 =	vmin.f32 v15, $4.095000000e+03;
	(erf) = vpow2.f32 v14  }
0x185: {  	v14 =	vmul.f32 $2.560000000e+02, v17;
	(erf) = vpow2.f32 v5;
	v5 =	vmax.f32 v13, $0.0e+00  }
0x186: {  	v13 =	vtrunc.f32 v15;
	v15 =	vmin.f32 v8, $4.095000000e+03;
	v8 =	vmax.f32 v25, $0.0e+00  }
0x187: {  	v14 =	vmax.f32 v14, $0.0e+00;
	v25 =	vcvt.f32.s32 v13;
	v8 =	vmin.f32 v8, $8.191000000e+03  }
0x188: {  	v13 =	vmax.f32 v10, $0.0e+00;
	v10 =	vcvt.f32.s32 v9;
	v9 =	vmin.f32 v27, $8.191000000e+03  }
0x189: {  	v11 =	vcvt.f32.s32 v11;
	v26 =	vmin.f32 v14, $8.191000000e+03;
	v9 =	vtrunc.f32 v9  }
0x18a: {  	v21 =	vtrunc.f32 v8;
	v14 =	vmin.f32 v19, $4.095000000e+03;
	v8 =	vpop (erf);
	(erf) = vpow2.f32 v18  }
0x18b: {  	v27 =	vmin.f32 v5, $4.095000000e+03;
	v18 =	vtrunc.f32 v7;
	v7 =	vtrunc.f32 v14;
	v5 =	vpop (erf)  }
0x18c: {  	v24 =	vsub.f32 v24, v3;
	v32 =	vcvt.f32.s32 v20;
	v19 =	vcvt.f32.s32 v9;
	v9 =	vpop (erf)  }
0x18d: {  	v16 =	vmul.f32 $1.048576000e+06, v16;
	v15 =	vtrunc.f32 v15;
	v62 =	vmin.f32 v13, $8.191000000e+03;
	v13 =	vpop (erf)  }
0x18e: {  	vm2 =	veq.s32 v4, v11;
	v30 =	vcvt.f32.s32 v15;
	v14 =	vcvt.f32.s32 v7;
	v7 =	vpop (erf)  }
0x18f: {  	v24 =	vmul.f32 $1.048576000e+06, v24;
	v26 =	vtrunc.f32 v26;
	v11 =	vpop (erf)  }
0x190: {  	v17 =	vmul.f32 $2.560000000e+02, v61;
	v26 =	vcvt.f32.s32 v26;
	v15 =	vpop (erf)  }
0x191: {  	v63 =	vmax.f32 v16, $0.0e+00;
	v27 =	vtrunc.f32 v27;
	v22 =	vcvt.f32.s32 v21;
	v31 =	vpop (erf)  }
0x192: {  	v21 =	vtrunc.f32 v62;
	vm1 =	veq.s32 v4, v26;
	v26 =	vmul.f32 $1.048576000e+06, v29;
	v16 =	vpop (erf)  }
0x193: {  	v20 =	vcvt.f32.s32 v27;
	v18 =	vcvt.f32.s32 v18;
	[tilespmem:v25+s14+$0x0] =	vst.idx.add.f32.msk vm0, v31;
	v25 =	vmax.f32 v23, $0.0e+00;
	v23 =	vpop (erf)  }
0x194: {  	s25 =	simm.s32 $0x4F70;
	v26 =	vmax.f32 v26, $0.0e+00;
	vm0 =	veq.s32 v4, v32;
	[tilespmem:v30+s14+$0x0] =	vst.idx.add.f32.msk vm2, v23;
	v23 =	vmin.f32 v63, $4.095000000e+03  }
.LBB2_17:
0x195: {  	s24 =	sadd.s32 $0xA0, s24;
	v27 =	vld [tilespmem:s25+$0xFFFFFFC0];
	v26 =	vmin.f32 v26, $4.095000000e+03;
	v28 =	vmax.f32 v12, $0.0e+00;
	v17 =	vmax.f32 v17, $0.0e+00  }
0x196: {  	vm2 =	veq.s32 v4, v22;
	v12 =	vld [tilespmem:s25+$0x10];
	s1 =	sand.u32 $0x7FE0, s24;
	p0 =	slt.u32 s24, $0x4D80;
	v26 =	vtrunc.f32 v26;
	v28 =	vmin.f32 v28, $4.095000000e+03  }
0x197: {  	v17 =	vmin.f32 v17, $8.191000000e+03;
	v22 =	vld [tilespmem:s25+$0xFFFFFFB0];
	v26 =	vcvt.f32.s32 v26;
	v28 =	vtrunc.f32 v28  }
0x198: {  	v25 =	vmin.f32 v25, $8.191000000e+03;
	v17 =	vtrunc.f32 v17;
	v29 =	vld [tilespmem:s25+$0x0];
	v28 =	vcvt.f32.s32 v28  }
0x199: {  	vm3 =	veq.s32 v4, v19;
	v19 =	vtrunc.f32 v25;
	v17 =	vcvt.f32.s32 v17;
	v30 =	vld [tilespmem:s25+$0xFFFFFFE0]  }
0x19a: {  	[tilespmem:v18+s14+$0x0] =	vst.idx.add.f32.msk vm1, v8;
	v8 =	vcvt.f32.s32 v19;
	v18 =	vcvt.f32.s32 v21;
	v19 =	vmax.f32 v24, $0.0e+00  }
0x19b: {  	v6 =	vcvt.f32.s32 v6;
	v23 =	vtrunc.f32 v23;
	v21 =	vld [tilespmem:s25+$0x20];
	v19 =	vmin.f32 v19, $4.095000000e+03  }
0x19c: {  	v24 =	vmul.f32 $1.442695020e+00, v22;
	v25 =	vsub.f32 v22, v3;
	v31 =	vld [tilespmem:s25+$0xFFFFFFD0];
	v19 =	vtrunc.f32 v19  }
0x19d: {  	vm1 =	veq.s32 v4, v6;
	v6 =	vcvt.f32.s32 v23;
	v22 =	vadd.f32 $1.600000000e+01, v22;
	[tilespmem:v26+s14+$0x0] =	vst.idx.add.f32.msk vm0, v13  }
0x19e: {  	v13 =	vmul.f32 $1.048576000e+06, v25;
	[tilespmem:v28+s14+$0x0] =	vst.idx.add.f32.msk vm2, v9;
	vm2 =	veq.s32 v4, v8;
	v8 =	vcvt.f32.s32 v19  }
0x19f: {  	vm0 =	veq.s32 v4, v18;
	v9 =	vmul.f32 $2.560000000e+02, v22;
	[tilespmem:v20+s14+$0x0] =	vst.idx.add.f32.msk vm3, v15;
	vm3 =	veq.s32 v4, v17  }
0x1a0: {  	v15 =	vmul.f32 $1.442695020e+00, v27;
	v13 =	vmax.f32 v13, $0.0e+00;
	v17 =	vld [tilespmem:s25+$0xFFFFFFF0];
	v19 =	vmul.f32 $1.442695020e+00, v21  }
0x1a1: {  	v22 =	vmul.f32 $1.442695020e+00, v29;
	v20 =	vadd.f32 $1.600000000e+01, v27;
	v9 =	vmax.f32 v9, $0.0e+00;
	v23 =	vld [tilespmem:s1+$0x4F00]  }
0x1a2: {  	v26 =	vsub.f32 v21, v3;
	v25 =	vadd.f32 $1.600000000e+01, v31;
	v18 =	vld [tilespmem:s25+$0x40];
	(erf) = vpow2.f32 v15  }
0x1a3: {  	v28 =	vadd.f32 $1.600000000e+01, v29;
	v21 =	vadd.f32 $1.600000000e+01, v21;
	v15 =	vmul.f32 $1.442695020e+00, v31;
	[tilespmem:v10+s14+$0x0] =	vst.idx.add.f32.msk vm1, v16  }
0x1a4: {  	v10 =	vmin.f32 v13, $4.095000000e+03;
	v13 =	vmul.f32 $2.560000000e+02, v25;
	v16 =	vmul.f32 $1.442695020e+00, v12;
	[tilespmem:v14+s14+$0x0] =	vst.idx.add.f32.msk vm2, v5  }
0x1a5: {  	v25 =	vmul.f32 $1.048576000e+06, v26;
	v5 =	vmul.f32 $2.560000000e+02, v28;
	v14 =	vadd.f32 $1.600000000e+01, v12;
	[tilespmem:v8+s14+$0x0] =	vst.idx.add.f32.msk vm3, v11  }
0x1a6: {  	v11 =	vmul.f32 $1.442695020e+00, v30;
	v8 =	vadd.f32 $1.600000000e+01, v30;
	(erf) = vpow2.f32 v19;
	[tilespmem:v6+s14+$0x0] =	vst.idx.add.f32.msk vm0, v7  }
0x1a7: {  	v6 =	vadd.f32 $1.600000000e+01, v17;
	v5 =	vmax.f32 v5, $0.0e+00;
	v7 =	vadd.f32 $1.600000000e+01, v23  }
0x1a8: {  	v19 =	vsub.f32 v30, v3;
	v14 =	vmul.f32 $2.560000000e+02, v14;
	(erf) = vpow2.f32 v16  }
0x1a9: {  	v9 =	vmin.f32 v9, $8.191000000e+03;
	v6 =	vmul.f32 $2.560000000e+02, v6;
	v16 =	vmul.f32 $1.442695020e+00, v23  }
0x1aa: {  	v26 =	vsub.f32 v31, v3;
	v30 =	vadd.f32 $1.600000000e+01, v18;
	v28 =	vmul.f32 $2.560000000e+02, v7  }
0x1ab: {  	v7 =	vmul.f32 $2.560000000e+02, v8;
	v6 =	vmax.f32 v6, $0.0e+00;
	v8 =	vpop (erf);
	(erf) = vpow2.f32 v15  }
0x1ac: {  	v15 =	vmul.f32 $1.048576000e+06, v19;
	v19 =	vmin.f32 v5, $8.191000000e+03;
	(erf) = vpow2.f32 v16  }
0x1ad: {  	v31 =	vmul.f32 $1.442695020e+00, v18;
	v34 =	vmin.f32 v6, $8.191000000e+03;
	v16 =	vsub.f32 v17, v3  }
0x1ae: {  	v33 =	vsub.f32 v27, v3;
	v6 =	vtrunc.f32 v9;
	v32 =	vtrunc.f32 v34  }
0x1af: {  	v10 =	vtrunc.f32 v10;
	v27 =	vmax.f32 v7, $0.0e+00;
	v7 =	vcvt.f32.s32 v32;
	v5 =	vpop (erf)  }
0x1b0: {  	v29 =	vsub.f32 v29, v3;
	v32 =	vmul.f32 $1.048576000e+06, v33;
	(erf) = vpow2.f32 v31  }
0x1b1: {  	v19 =	vtrunc.f32 v19;
	vm0 =	veq.s32 v4, v7;
	v31 =	vmax.f32 v13, $0.0e+00;
	v9 =	vpop (erf)  }
0x1b2: {  	v34 =	vmul.f32 $1.442695020e+00, v17;
	v33 =	vmul.f32 $2.560000000e+02, v21;
	v32 =	vmax.f32 v32, $0.0e+00  }
0x1b3: {  	v17 =	vsub.f32 v23, v3;
	v16 =	vmul.f32 $1.048576000e+06, v16;
	(erf) = vpow2.f32 v11  }
0x1b4: {  	v21 =	vmax.f32 v25, $0.0e+00;
	v11 =	vmul.f32 $1.048576000e+06, v29;
	v13 =	vpop (erf);
	(erf) = vpow2.f32 v34  }
0x1b5: {  	v20 =	vmul.f32 $2.560000000e+02, v20;
	v23 =	vmul.f32 $1.048576000e+06, v17;
	v16 =	vmax.f32 v16, $0.0e+00;
	v7 =	vpop (erf)  }
0x1b6: {  	v17 =	vmul.f32 $2.560000000e+02, v30;
	v16 =	vmin.f32 v16, $4.095000000e+03;
	(erf) = vpow2.f32 v24  }
0x1b7: {  	v15 =	vmax.f32 v15, $0.0e+00;
	v29 =	vmax.f32 v11, $0.0e+00;
	v24 =	vcvt.f32.s32 v19  }
0x1b8: {  	v16 =	vtrunc.f32 v16;
	v25 =	vmin.f32 v29, $4.095000000e+03;
	v19 =	vmax.f32 v14, $0.0e+00  }
0x1b9: {  	v14 =	vmax.f32 v20, $0.0e+00;
	v20 =	vcvt.f32.s32 v16;
	v16 =	vmin.f32 v19, $8.191000000e+03;
	v11 =	vpop (erf)  }
0x1ba: {  	v29 =	vmin.f32 v14, $8.191000000e+03;
	v14 =	vmax.f32 v28, $0.0e+00;
	v30 =	vtrunc.f32 v16  }
0x1bb: {  	v10 =	vcvt.f32.s32 v10;
	v16 =	vmin.f32 v27, $8.191000000e+03;
	v27 =	vmin.f32 v15, $4.095000000e+03  }
0x1bc: {  	v21 =	vmin.f32 v21, $4.095000000e+03;
	v16 =	vtrunc.f32 v16;
	v15 =	vpop (erf);
	(erf) = vpow2.f32 v22  }
0x1bd: {  	v35 =	vtrunc.f32 v25;
	v19 =	vcvt.f32.s32 v16;
	v22 =	vmin.f32 v32, $4.095000000e+03;
	v25 =	vpop (erf)  }
0x1be: {  	v21 =	vtrunc.f32 v21;
	v32 =	vmin.f32 v14, $8.191000000e+03;
	v28 =	vtrunc.f32 v22  }
0x1bf: {  	v31 =	vmin.f32 v31, $8.191000000e+03;
	v34 =	vcvt.f32.s32 v35;
	v14 =	vcvt.f32.s32 v21;
	v16 =	vpop (erf)  }
0x1c0: {  	vm2 =	veq.s32 v4, v24;
	v22 =	vcvt.f32.s32 v30;
	v21 =	vtrunc.f32 v32;
	[tilespmem:v20+s14+$0x0] =	vst.idx.add.f32.msk vm0, v25  }
0x1c1: {  	v12 =	vsub.f32 v12, v3;
	v24 =	vtrunc.f32 v27;
	v20 =	vtrunc.f32 v29  }
.Ltmp7:
0x1c2: {  	v23 =	vmax.f32 v23, $0.0e+00;
	v25 =	vcvt.f32.s32 v20;
	v20 =	vtrunc.f32 v31;
	(pc) =	sbr.rel @p0 .LBB2_17-.Ltmp7, $4  }
0x1c3: {  	v27 =	vcvt.f32.s32 v20;
	v20 =	vcvt.f32.s32 v24;
	v24 =	vsub.f32 v18, v3  }
0x1c4: {  	v26 =	vmul.f32 $1.048576000e+06, v26;
	v18 =	vcvt.f32.s32 v28;
	vm1 =	veq.s32 v4, v25  }
0x1c5: {  	v12 =	vmul.f32 $1.048576000e+06, v12;
	v25 =	vmax.f32 v33, $0.0e+00;
	v24 =	vmul.f32 $1.048576000e+06, v24;
	v28 =	vpop (erf)  }
0x1c6: {  	s25 =	sadd.s32 $0xA0, s25;
	v26 =	vmax.f32 v26, $0.0e+00;
	v23 =	vmin.f32 v23, $4.095000000e+03;
	vm0 =	veq.s32 v4, v27;
	[tilespmem:v34+s14+$0x0] =	vst.idx.add.f32.msk vm2, v28  }
0x1c7: {  	v26 =	vmin.f32 v26, $4.095000000e+03;
	v12 =	vmax.f32 v12, $0.0e+00  }
0x1c8: {  	v17 =	vmax.f32 v17, $0.0e+00;
	v25 =	vmin.f32 v25, $8.191000000e+03;
	vm2 =	veq.s32 v4, v22  }
0x1c9: {  	v6 =	vcvt.f32.s32 v6;
	vm3 =	veq.s32 v4, v19;
	v62 =	vtrunc.f32 v23  }
0x1ca: {  	v26 =	vtrunc.f32 v26;
	v12 =	vmin.f32 v12, $4.095000000e+03;
	v58 =	vtrunc.f32 v25  }
0x1cb: {  	v17 =	vmin.f32 v17, $8.191000000e+03;
	v26 =	vcvt.f32.s32 v26;
	v12 =	vtrunc.f32 v12  }
0x1cc: {  	v17 =	vtrunc.f32 v17;
	v59 =	vcvt.f32.s32 v58;
	vm4 =	veq.s32 v4, v6  }
0x1cd: {  	v60 =	vmax.f32 v24, $0.0e+00;
	v6 =	vcvt.f32.s32 v21;
	v12 =	vcvt.f32.s32 v12  }
0x1ce: {  	v22 =	vmin.f32 v60, $4.095000000e+03;
	v17 =	vcvt.f32.s32 v17;
	vm5 =	veq.s32 v4, v59  }
0x1cf: {  	[tilespmem:v18+s14+$0x0] =	vst.idx.add.f32.msk vm1, v8;
	v8 =	vcvt.f32.s32 v62;
	v61 =	vtrunc.f32 v22;
	vm15 =	veq.s32 v4, v6  }
0x1d0: {  	s23 =	sadd.s32 $0x1, s23;
	v63 =	vcvt.f32.s32 v61;
	vm14 =	veq.s32 v4, v17;
	[tilespmem:v20+s14+$0x0] =	vst.idx.add.f32.msk vm3, v15  }
0x1d1: {  	p0 =	sne.s32 s23, $0x19;
	[tilespmem:v26+s14+$0x0] =	vst.idx.add.f32.msk vm0, v13  }
.Ltmp8:
0x1d2: {  	[tilespmem:v10+s14+$0x0] =	vst.idx.add.f32.msk vm4, v16;
	(pc) =	sbr.rel @p0 .LBB2_14-.Ltmp8, $4  }
0x1d3: {  	[tilespmem:v12+s14+$0x0] =	vst.idx.add.f32.msk vm2, v9  }
0x1d4: {  	[tilespmem:v14+s14+$0x0] =	vst.idx.add.f32.msk vm5, v5  }
0x1d5: {  	[tilespmem:v8+s14+$0x0] =	vst.idx.add.f32.msk vm15, v7  }
0x1d6: {  	[tilespmem:v63+s14+$0x0] =	vst.idx.add.f32.msk vm14, v11  }
0x1d7: {  	s22 =	ssub.f32 s22, s21;
	_ =	sdelay $0x1  }
0x1d8: {  	s1 =	ssub.f32 s20, s22  }
0x1d9: {  	s21 =	simm.s32 $0x0;
	s23 =	simm.s32 $0x80000FEF;
	s24 =	simm.s32 $0x169F0  }
0x1da: {  	s25 =	simm.s32 $0x0;
	s26 =	simm.f32 $0.0e+00;
	s20 =	simm.f32 $0.0e+00;
	v5 =	vmov s1  }
.LBB2_20:
0x1db: {  	v6 =	vld [tilespmem:s24+$0x0];
	_ =	sdelay $0x4  }
0x1dc: {  	v6 =	vperm.xlane v6, v2;
	_ =	sdelay $0x1  }
0x1dd: {  	(xrf2) =	vadd.scan.msk.f32 $0xffff, v6;
	_ =	sdelay $0x9  }
0x1de: {  	v6, _, _ =	vpop (xrf2)  }
0x1df: {  	v6 =	vperm.xlane v6, v2;
	_ =	sdelay $0x1  }
0x1e0: {  	v6 =	vadd.f32 s26, v6;
	_ =	sdelay $0x1  }
0x1e1: {  	vm0 =	vgt.f32 v6, v5  }
0x1e2: {  	v7 =	vmpcnt.ones.xlane vm0;
	_ =	sdelay $0x1  }
0x1e3: {  	v7 =	vxor.u32 $0x80000000, v7  }
0x1e4: {  	(xrf0) =	vmax.scan.msk.u32 $0xffff, v7;
	_ =	sdelay $0x5  }
0x1e5: {  	v7, _, _ =	vpop (xrf0)  }
0x1e6: {  	(v2sf) =	vpush v7, $0xF;
	_ =	sdelay $0xe  }
0x1e7: {  	s1 =	spop (v2sf)  }
0x1e8: {  	s31 =	sadd.s32 $0x7FFFFFFF, s1  }
0x1e9: {  	v7 =	vmov s31  }
0x1ea: {  	vm15 =	veq.s32 v7, v0  }
0x1eb: {  	v7 =	vnsel vm15, $0x0, v6  }
0x1ec: {  	(xrf2) =	vadd.scan.msk.f32 $0xffff, v7;
	_ =	sdelay $0x4  }
0x1ed: {  	(xrf0) =	vmax.scan.msk.f32 $0xffff, v6;
	_ =	sdelay $0x4  }
0x1ee: {  	v6, _, _ =	vpop (xrf2)  }
0x1ef: {  	(v2sf) =	vpush v6, $0xF;
	v6, _, _ =	vpop (xrf0)  }
0x1f0: {  	(v2sf) =	vpush v6, $0xF;
	_ =	sdelay $0x8  }
0x1f1: {  	s28 =	simm.s32 $0x1;
	p1 =	seq.s32 s25, $0x0;
	p0 =	sgt.u32 s1, $0x80000000  }
0x1f2: {  	s28 =	simm.s32 @!p0 $0x0;
	p0 =	por !p1, !p0;
	p1 =	sne.s32 s23, $0x7FFFFFFF  }
.Ltmp9:
0x1f3: {  	_ = 	snop;
	(pc) =	sbr.rel @p1 .LBB2_20-.Ltmp9, $4  }
0x1f4: {  	_ = 	snop  }
0x1f5: {  	s24 =	sadd.s32 $0xFFFFFFF0, s24;
	s1 =	sadd.s32 s23, s1;
	s23 =	sadd.s32 $0xFFFFFFF0, s23  }
0x1f6: {  	p0 =	por !p0, !p0;
	s25 =	sor.u32 s28, s25;
	s29 =	spop (v2sf)  }
0x1f7: {  	s21 =	smov.u32 @p0 s1;
	s26 =	spop (v2sf);
	s20 =	smov.u32 @p0 s29  }
0x1f8: {  	s1 =	sadd.f32 s20, s22;
	_ =	sdelay $0x1  }
0x1f9: {  	v5 =	vmov s1  }
0x1fa: {  	v5 =	vadd.f32 $0.0e+00, v5;
	_ =	sdelay $0x1  }
0x1fb: {  	v5 =	vbroadcast v5, $0x0;
	_ =	sdelay $0x1  }
0x1fc: {  	(erf) = vrcp.f32 v5;
	_ =	sdelay $0x7  }
0x1fd: {  	s20 =	simm.s32 $0x0  }
0x1fe: {  	v6 =	vmov s21;
	[tilespmem:s20], [sflag:$0x1] =	stream.linear.gather [hbm4b:s6+s20], $0x4E20, $0x38;
	v5 =	vpop (erf);
	[tilespmem:$0x16A00] =	vst v63  }
.LBB2_22:
0x1ff: {  	s22 =	smul.u32 $0x9C40, s20;
	_ =	sdelay $0x1  }
0x200: {  	s1 =	sadd.s32 s22, s7  }
0x201: {  	s21 =	sshrl.u32 s1, $0x3  }
0x202: {  	s1 =	sadd.s32 s4, s21  }
0x203: {  	[tilespmem:s10], [sflag:$0x2] =	stream.linear.gather [hbm4b:s1+s2], $0x4E20, $0x38;
	[tilespmem:$0x16A00] =	vst v63  }
0x204: {  	_ =	swait.ge [sflag:s11], $0x4E20  }
0x205: {  	p0 =	seq.s32 s20, $0x0;
	[sflag:s11] =	ssyncset.done $0x0  }
0x206: {  	s1 =	simm.s32 @!p0 $0x3;
	[sflag:s11] =	ssyncadd.s32 $0xFFFFB1E0  }
0x207: {  	_ =	swait.ge @!p0 [sflag:s1], $0x4E20  }
0x208: {  	[sflag:s1] =	ssyncset.done @!p0 $0x0  }
0x209: {  	s31 =	simm.s32 $0x50;
	[sflag:s1] =	ssyncadd.s32 @!p0 $0xFFFFB1E0  }
0x20a: {  	v7 =	vld [tilespmem:s31+$0x40]  }
0x20b: {  	v8 =	vld [tilespmem:s31+$0xFFFFFFB0]  }
0x20c: {  	v9 =	vld [tilespmem:s31+$0xFFFFFFC0]  }
0x20d: {  	s23 =	simm.s32 $0x0;
	v10 =	vld [tilespmem:s31+$0xFFFFFFD0]  }
0x20e: {  	s24 =	sand.u32 $0x7FE0, s23;
	v11 =	vld [tilespmem:s31+$0xFFFFFFE0]  }
0x20f: {  	v12 =	vld [tilespmem:s24+$0x80]  }
0x210: {  	v21 =	vld [tilespmem:s31+$0xFFFFFFF0]  }
0x211: {  	v24 =	vld [tilespmem:s31+$0x10];
	v13 =	vadd.f32 $1.600000000e+01, v7  }
0x212: {  	v14 =	vmul.f32 $1.442695020e+00, v8;
	v15 =	vadd.f32 $1.600000000e+01, v8;
	v16 =	vsub.f32 v7, v3  }
0x213: {  	v8 =	vsub.f32 v8, v3;
	v17 =	vmul.f32 $1.442695020e+00, v9;
	v19 =	vmul.f32 $1.442695020e+00, v10  }
0x214: {  	v18 =	vadd.f32 $1.600000000e+01, v9;
	v20 =	vmul.f32 $1.442695020e+00, v11;
	v7 =	vmul.f32 $1.442695020e+00, v7  }
0x215: {  	v22 =	vmul.f32 $1.442695020e+00, v12;
	v9 =	vsub.f32 v9, v3;
	v23 =	vadd.f32 $1.600000000e+01, v10  }
0x216: {  	v10 =	vsub.f32 v10, v3;
	v25 =	vmul.f32 $1.442695020e+00, v21;
	v26 =	vmul.f32 $1.442695020e+00, v24  }
0x217: {  	v28 =	vadd.f32 $1.600000000e+01, v11;
	v11 =	vsub.f32 v11, v3;
	v13 =	vmul.f32 $2.560000000e+02, v13  }
0x218: {  	v29 =	vadd.f32 $1.600000000e+01, v21;
	v16 =	vmul.f32 $1.048576000e+06, v16;
	(erf) = vpow2.f32 v7  }
0x219: {  	v21 =	vsub.f32 v21, v3;
	v15 =	vmul.f32 $2.560000000e+02, v15;
	v8 =	vmul.f32 $1.048576000e+06, v8  }
0x21a: {  	v7 =	vadd.f32 $1.600000000e+01, v12;
	v9 =	vmul.f32 $1.048576000e+06, v9;
	v10 =	vmul.f32 $1.048576000e+06, v10  }
0x21b: {  	v12 =	vsub.f32 v12, v3;
	v11 =	vmul.f32 $1.048576000e+06, v11;
	v21 =	vmul.f32 $1.048576000e+06, v21  }
0x21c: {  	(erf) = vpow2.f32 v22;
	v13 =	vmax.f32 v13, $0.0e+00;
	v7 =	vmul.f32 $2.560000000e+02, v7  }
0x21d: {  	v16 =	vmax.f32 v16, $0.0e+00;
	v12 =	vmul.f32 $1.048576000e+06, v12;
	(erf) = vpow2.f32 v14  }
0x21e: {  	v15 =	vmax.f32 v15, $0.0e+00;
	v8 =	vmax.f32 v8, $0.0e+00;
	v9 =	vmax.f32 v9, $0.0e+00  }
0x21f: {  	v10 =	vmax.f32 v10, $0.0e+00;
	v11 =	vmax.f32 v11, $0.0e+00;
	v21 =	vmax.f32 v21, $0.0e+00  }
0x220: {  	v13 =	vmin.f32 v13, $8.191000000e+03;
	v16 =	vmin.f32 v16, $4.095000000e+03;
	(erf) = vpow2.f32 v17  }
0x221: {  	v17 =	vadd.f32 $1.600000000e+01, v24;
	v15 =	vmin.f32 v15, $8.191000000e+03;
	v8 =	vmin.f32 v8, $4.095000000e+03  }
0x222: {  	v9 =	vmin.f32 v9, $4.095000000e+03;
	v13 =	vtrunc.f32 v13;
	v16 =	vtrunc.f32 v16  }
0x223: {  	v10 =	vmin.f32 v10, $4.095000000e+03;
	(erf) = vpow2.f32 v19;
	v15 =	vtrunc.f32 v15  }
0x224: {  	v11 =	vmin.f32 v11, $4.095000000e+03;
	v8 =	vtrunc.f32 v8;
	v9 =	vtrunc.f32 v9  }
0x225: {  	v21 =	vmin.f32 v21, $4.095000000e+03;
	v10 =	vtrunc.f32 v10;
	v11 =	vtrunc.f32 v11  }
0x226: {  	v22 =	vld [tilespmem:s31+$0x0];
	v24 =	vsub.f32 v24, v3;
	v21 =	vtrunc.f32 v21;
	v13 =	vcvt.f32.s32 v13  }
0x227: {  	v7 =	vmax.f32 v7, $0.0e+00;
	v16 =	vcvt.f32.s32 v16;
	(erf) = vpow2.f32 v20  }
0x228: {  	v12 =	vmax.f32 v12, $0.0e+00;
	v20 =	vmul.f32 $2.560000000e+02, v28;
	v17 =	vmul.f32 $2.560000000e+02, v17  }
0x229: {  	v7 =	vmin.f32 v7, $8.191000000e+03;
	v24 =	vmul.f32 $1.048576000e+06, v24;
	v8 =	vcvt.f32.s32 v8  }
0x22a: {  	v12 =	vmin.f32 v12, $4.095000000e+03;
	v9 =	vcvt.f32.s32 v9;
	v10 =	vcvt.f32.s32 v10  }
0x22b: {  	v7 =	vtrunc.f32 v7;
	v12 =	vtrunc.f32 v12;
	v14 =	vadd.f32 $1.600000000e+01, v22  }
0x22c: {  	(erf) = vpow2.f32 v25;
	vm0 =	vlt.s32 v4, v13;
	vm1 =	veq.s32 v4, v13  }
0x22d: {  	vm2 =	vle.s32 v6, v16;
	v7 =	vcvt.f32.s32 v7;
	v12 =	vcvt.f32.s32 v12  }
0x22e: {  	v16 =	vmul.f32 $1.442695020e+00, v22;
	v22 =	vsub.f32 v22, v3;
	v20 =	vmax.f32 v20, $0.0e+00  }
0x22f: {  	v17 =	vmax.f32 v17, $0.0e+00;
	v24 =	vmax.f32 v24, $0.0e+00;
	vm12 =	vle.s32 v6, v8  }
0x230: {  	v8 =	vcvt.f32.s32 v11;
	v11 =	vcvt.f32.s32 v21;
	vm9 =	vle.s32 v6, v9  }
0x231: {  	vm15 =	vle.s32 v6, v10;
	vm1 =	vmand vm1, vm2;
	v14 =	vmul.f32 $2.560000000e+02, v14  }
0x232: {  	v20 =	vmin.f32 v20, $8.191000000e+03;
	v17 =	vmin.f32 v17, $8.191000000e+03;
	vm0 =	vmor vm0, vm1  }
0x233: {  	vm2 =	veq.s32 v4, v7;
	(erf) = vpow2.f32 v16;
	v16 =	vmul.f32 $2.560000000e+02, v18  }
0x234: {  	vm3 =	vle.s32 v6, v12;
	v18 =	vmul.f32 $2.560000000e+02, v23;
	v23 =	vmul.f32 $2.560000000e+02, v29  }
0x235: {  	v13 =	vld [tilespmem:s31+$0x20];
	v27 =	vpop (erf);
	vm1 =	vlt.s32 v4, v7;
	v22 =	vmul.f32 $1.048576000e+06, v22;
	v20 =	vtrunc.f32 v20  }
0x236: {  	v17 =	vtrunc.f32 v17;
	vm4 =	vle.s32 v6, v11;
	v12 =	vmul.f32 v27, v5  }
0x237: {  	v27 =	vpop (erf);
	vm2 =	vmand vm2, vm3;
	(erf) = vpow2.f32 v26;
	v14 =	vmax.f32 v14, $0.0e+00  }
0x238: {  	v7 =	vmul.f32 v27, v5;
	v16 =	vmax.f32 v16, $0.0e+00;
	v18 =	vmax.f32 v18, $0.0e+00  }
0x239: {  	v23 =	vmax.f32 v23, $0.0e+00;
	v22 =	vmax.f32 v22, $0.0e+00;
	v14 =	vmin.f32 v14, $8.191000000e+03  }
0x23a: {  	vm1 =	vmor vm1, vm2;
	v27 =	vmul.f32 $1.442695020e+00, v13;
	v19 =	vadd.f32 $1.600000000e+01, v13  }
0x23b: {  	v13 =	vsub.f32 v13, v3;
	v16 =	vmin.f32 v16, $8.191000000e+03;
	v18 =	vmin.f32 v18, $8.191000000e+03  }
0x23c: {  	v23 =	vmin.f32 v23, $8.191000000e+03;
	v14 =	vtrunc.f32 v14;
	v16 =	vtrunc.f32 v16  }
0x23d: {  	v22 =	vmin.f32 v22, $4.095000000e+03;
	v25 =	vtrunc.f32 v18;
	v23 =	vtrunc.f32 v23  }
0x23e: {  	v18 =	vmin.f32 v24, $4.095000000e+03;
	v26 =	vtrunc.f32 v22;
	v24 =	vcvt.f32.s32 v20  }
0x23f: {  	v30 =	vnsel vm0, $0x0, v12;
	(erf) = vpow2.f32 v27;
	v19 =	vmul.f32 $2.560000000e+02, v19  }
0x240: {  	v7 =	vnsel vm1, $0x0, v7;
	v13 =	vmul.f32 $1.048576000e+06, v13;
	v28 =	vtrunc.f32 v18  }
0x241: {  	vm1 =	vle.s32 v6, v8;
	v18 =	vcvt.f32.s32 v15;
	v22 =	vcvt.f32.s32 v25  }
0x242: {  	v23 =	vcvt.f32.s32 v23;
	v25 =	vcvt.f32.s32 v14;
	v13 =	vmax.f32 v13, $0.0e+00  }
0x243: {  	v9 =	vcvt.f32.s32 v26;
	v27 =	vcvt.f32.s32 v17;
	v13 =	vmin.f32 v13, $4.095000000e+03  }
0x244: {  	v14 =	vcvt.f32.s32 v28;
	vm0 =	veq.s32 v4, v24;
	v13 =	vtrunc.f32 v13  }
0x245: {  	v12 =	vpop (erf);
	v19 =	vmax.f32 v19, $0.0e+00;
	vm2 =	veq.s32 v4, v18;
	vm13 =	veq.s32 v4, v22  }
0x246: {  	v15 =	vpop (erf);
	vm3 =	veq.s32 v4, v23;
	vm5 =	veq.s32 v4, v25;
	v19 =	vmin.f32 v19, $8.191000000e+03  }
0x247: {  	vm10 =	vle.s32 v6, v14;
	v14 =	vmul.f32 v12, v5;
	v10 =	vcvt.f32.s32 v13;
	v13 =	vpop (erf)  }
0x248: {  	vm7 =	vle.s32 v6, v9;
	v29 =	vtrunc.f32 v19;
	v19 =	vcvt.f32.s32 v16;
	v8 =	vpop (erf)  }
0x249: {  	vm6 =	veq.s32 v4, v27;
	v12 =	vmul.f32 v15, v5;
	v26 =	vcvt.f32.s32 v29;
	v9 =	vpop (erf)  }
0x24a: {  	vm2 =	vmand vm2, vm12;
	vm13 =	vmand vm13, vm15;
	vm8 =	veq.s32 v4, v19;
	v16 =	vpop (erf)  }
0x24b: {  	s25 =	simm.s32 $0x9D50;
	vm11 =	veq.s32 v4, v26;
	v13 =	vmul.f32 v13, v5;
	v11 =	vmul.f32 v8, v5;
	v15 =	vpop (erf)  }
0x24c: {  	[tilespmem:s25+$0x40] =	vst v30;
	vm14 =	vle.s32 v6, v10;
	v10 =	vmul.f32 v9, v5;
	v9 =	vmul.f32 v16, v5;
	v17 =	vpop (erf)  }
0x24d: {  	s26 =	simm.s32 $0xF0;
	[tilespmem:s24+$0x9D80] =	vst v7;
	s24 =	simm.s32 $0x9D50;
	vm12 =	vmand vm8, vm9;
	v8 =	vmul.f32 v15, v5;
	v7 =	vmul.f32 v17, v5  }
.LBB2_23:
0x24e: {  	vm15 =	vmand vm0, vm1;
	vm9 =	vmand vm3, vm4;
	vm8 =	vmand vm5, vm7  }
0x24f: {  	vm3 =	vlt.s32 v4, v18;
	vm1 =	vmand vm6, vm10;
	vm0 =	vmand vm11, vm14  }
0x250: {  	v17 =	vimm.s32 $0x0;
	vm4 =	vlt.s32 v4, v19;
	vm14 =	vlt.s32 v4, v22  }
0x251: {  	v15 =	vld [tilespmem:s26+$0x40];
	vm11 =	vlt.s32 v4, v23;
	vm10 =	vlt.s32 v4, v25;
	vm6 =	vlt.s32 v4, v27  }
0x252: {  	v16 =	vld [tilespmem:s26+$0xFFFFFFB0];
	vm7 =	vlt.s32 v4, v26;
	v17 =	vsel vm0, $0xFFFFFFFF, v17;
	vm0 =	vlt.s32 v4, v24  }
0x253: {  	v18 =	vld [tilespmem:s26+$0xFFFFFFD0];
	vm5 =	vmor vm3, vm2;
	vm3 =	vmor vm4, vm12;
	vm4 =	vmor vm14, vm13  }
0x254: {  	v19 =	vld [tilespmem:s26+$0xFFFFFFE0];
	vm9 =	vmor vm11, vm9;
	vm8 =	vmor vm10, vm8;
	vm1 =	vmor vm6, vm1  }
0x255: {  	v32 =	vld [tilespmem:s26+$0x20];
	vm2 =	vmor vm0, vm15;
	v14 =	vnsel vm5, $0x0, v14;
	v12 =	vnsel vm3, $0x0, v12  }
0x256: {  	s23 =	sadd.s32 $0xA0, s23;
	v24 =	vld [tilespmem:s26+$0xFFFFFFF0];
	[tilespmem:$0x1FFF0] =	vst v17;
	v10 =	vnsel vm9, $0x0, v10;
	v9 =	vnsel vm8, $0x0, v9;
	v8 =	vnsel vm1, $0x0, v8  }
0x257: {  	s28 =	sand.u32 $0x7FE0, s23;
	v17 =	vld [tilespmem:s26+$0xFFFFFFC0];
	[tilespmem:s24+$0xFFFFFFC0] =	vst v12;
	v12 =	vnsel vm4, $0x0, v13;
	v11 =	vnsel vm2, $0x0, v11;
	v21 =	vadd.f32 $1.600000000e+01, v15  }
0x258: {  	v20 =	vld [tilespmem:s28+$0x80];
	v22 =	vmul.f32 $1.442695020e+00, v16;
	v23 =	vadd.f32 $1.600000000e+01, v16;
	v25 =	vsub.f32 v15, v3  }
0x259: {  	v16 =	vsub.f32 v16, v3;
	v29 =	vmul.f32 $1.442695020e+00, v18;
	v31 =	vmul.f32 $1.442695020e+00, v19  }
0x25a: {  	v15 =	vmul.f32 $1.442695020e+00, v15;
	v52 =	vadd.f32 $1.600000000e+01, v18;
	v18 =	vsub.f32 v18, v3  }
0x25b: {  	v54 =	vmul.f32 $1.442695020e+00, v32;
	v36 =	vadd.f32 $1.600000000e+01, v19;
	v34 =	vmul.f32 $1.442695020e+00, v24  }
0x25c: {  	v19 =	vsub.f32 v19, v3;
	v26 =	vmul.f32 $1.442695020e+00, v17;
	v21 =	vmul.f32 $2.560000000e+02, v21  }
0x25d: {  	v28 =	vadd.f32 $1.600000000e+01, v17;
	v25 =	vmul.f32 $1.048576000e+06, v25;
	v33 =	vmul.f32 $1.442695020e+00, v20  }
0x25e: {  	(erf) = vpow2.f32 v15;
	v15 =	vadd.f32 $1.600000000e+01, v20;
	v16 =	vmul.f32 $1.048576000e+06, v16  }
0x25f: {  	v20 =	vsub.f32 v20, v3;
	v56 =	vmul.f32 $2.560000000e+02, v52;
	v18 =	vmul.f32 $1.048576000e+06, v18  }
0x260: {  	v17 =	vsub.f32 v17, v3;
	v19 =	vmul.f32 $1.048576000e+06, v19;
	(erf) = vpow2.f32 v33  }
0x261: {  	v21 =	vmax.f32 v21, $0.0e+00;
	v15 =	vmul.f32 $2.560000000e+02, v15;
	v20 =	vmul.f32 $1.048576000e+06, v20  }
0x262: {  	v25 =	vmax.f32 v25, $0.0e+00;
	v55 =	vmul.f32 $2.560000000e+02, v28;
	v37 =	vmul.f32 $1.048576000e+06, v17  }
0x263: {  	v33 =	vmax.f32 v56, $0.0e+00;
	v18 =	vmax.f32 v18, $0.0e+00;
	v19 =	vmax.f32 v19, $0.0e+00  }
0x264: {  	v21 =	vmin.f32 v21, $8.191000000e+03;
	v25 =	vmin.f32 v25, $4.095000000e+03;
	v33 =	vmin.f32 v33, $8.191000000e+03  }
0x265: {  	v18 =	vmin.f32 v18, $4.095000000e+03;
	v19 =	vmin.f32 v19, $4.095000000e+03;
	v21 =	vtrunc.f32 v21  }
0x266: {  	v25 =	vtrunc.f32 v25;
	v15 =	vmax.f32 v15, $0.0e+00;
	v20 =	vmax.f32 v20, $0.0e+00  }
0x267: {  	v27 =	vld [tilespmem:s26+$0x0];
	v28 =	vmax.f32 v55, $0.0e+00;
	v33 =	vtrunc.f32 v33;
	v62 =	vtrunc.f32 v18  }
0x268: {  	v30 =	vld [tilespmem:s26+$0x10];
	v57 =	vmax.f32 v37, $0.0e+00;
	v40 =	vtrunc.f32 v19;
	v21 =	vcvt.f32.s32 v21  }
0x269: {  	v25 =	vcvt.f32.s32 v25;
	v15 =	vmin.f32 v15, $8.191000000e+03;
	v20 =	vmin.f32 v20, $4.095000000e+03  }
0x26a: {  	[tilespmem:s24+$0x10] =	vst v8;
	v28 =	vmin.f32 v28, $8.191000000e+03;
	v8 =	vcvt.f32.s32 v62;
	v15 =	vtrunc.f32 v15  }
0x26b: {  	v20 =	vtrunc.f32 v20;
	v28 =	vtrunc.f32 v28;
	vm0 =	vlt.s32 v4, v21  }
0x26c: {  	vm12 =	veq.s32 v4, v21;
	v15 =	vcvt.f32.s32 v15;
	v20 =	vcvt.f32.s32 v20  }
0x26d: {  	vm13 =	vle.s32 v6, v25;
	v21 =	vmul.f32 $1.442695020e+00, v27;
	v25 =	vmul.f32 $1.442695020e+00, v30  }
0x26e: {  	v19 =	vcvt.f32.s32 v28;
	vm15 =	vle.s32 v6, v8;
	vm12 =	vmand vm12, vm13  }
0x26f: {  	v39 =	vld [tilespmem:$0x1FFF0];
	vm0 =	vmor vm0, vm12;
	vm12 =	veq.s32 v4, v15;
	vm13 =	vle.s32 v6, v20  }
0x270: {  	v35 =	vpop (erf);
	vm14 =	vlt.s32 v4, v15;
	vm9 =	veq.s32 v4, v19;
	vm12 =	vmand vm12, vm13  }
0x271: {  	v20 =	vmul.f32 v35, v5;
	v53 =	vpop (erf);
	vm12 =	vmor vm14, vm12;
	(erf) = vpow2.f32 v22  }
0x272: {  	v22 =	vadd.f32 $1.600000000e+01, v27;
	v27 =	vsub.f32 v27, v3;
	v15 =	vmul.f32 v53, v5  }
0x273: {  	s25 =	sadd.s32 $0xA0, s25;
	v20 =	vnsel vm0, $0x0, v20;
	(erf) = vpow2.f32 v26;
	v26 =	vadd.f32 $1.600000000e+01, v30  }
0x274: {  	v30 =	vsub.f32 v30, v3;
	vm0 =	vnez.u8 v39;
	[tilespmem:s25+$0x40] =	vst v20;
	v20 =	vadd.f32 $1.600000000e+01, v24  }
0x275: {  	v24 =	vsub.f32 v24, v3;
	(erf) = vpow2.f32 v29;
	v29 =	vadd.f32 $1.600000000e+01, v32  }
0x276: {  	v32 =	vsub.f32 v32, v3;
	v22 =	vmul.f32 $2.560000000e+02, v22;
	v27 =	vmul.f32 $1.048576000e+06, v27  }
0x277: {  	v15 =	vnsel vm12, $0x0, v15;
	(erf) = vpow2.f32 v31;
	v26 =	vmul.f32 $2.560000000e+02, v26  }
0x278: {  	vm0 =	vmor vm7, vm0;
	v30 =	vmul.f32 $1.048576000e+06, v30;
	[tilespmem:s28+$0x9D80] =	vst v15;
	v15 =	vmul.f32 $2.560000000e+02, v23  }
0x279: {  	v31 =	vmin.f32 v57, $4.095000000e+03;
	(erf) = vpow2.f32 v34;
	v58 =	vmul.f32 $2.560000000e+02, v20  }
0x27a: {  	v7 =	vnsel vm0, $0x0, v7;
	v24 =	vmul.f32 $1.048576000e+06, v24;
	v29 =	vmul.f32 $2.560000000e+02, v29  }
0x27b: {  	v32 =	vmul.f32 $1.048576000e+06, v32;
	v22 =	vmax.f32 v22, $0.0e+00;
	v31 =	vtrunc.f32 v31  }
0x27c: {  	v27 =	vmax.f32 v27, $0.0e+00;
	[tilespmem:s24+$0x20] =	vst v7;
	v7 =	vcvt.f32.s32 v40;
	(erf) = vpow2.f32 v21  }
0x27d: {  	v21 =	vmul.f32 $2.560000000e+02, v36;
	v26 =	vmax.f32 v26, $0.0e+00;
	v30 =	vmax.f32 v30, $0.0e+00  }
0x27e: {  	[tilespmem:s24+$0x0] =	vst v9;
	v22 =	vmin.f32 v22, $8.191000000e+03;
	v27 =	vmin.f32 v27, $4.095000000e+03;
	v9 =	vcvt.f32.s32 v31  }
0x27f: {  	v23 =	vmax.f32 v15, $0.0e+00;
	(erf) = vpow2.f32 v25;
	v25 =	vmax.f32 v16, $0.0e+00  }
0x280: {  	v34 =	vmax.f32 v58, $0.0e+00;
	v24 =	vmax.f32 v24, $0.0e+00;
	v29 =	vmax.f32 v29, $0.0e+00  }
0x281: {  	v32 =	vmax.f32 v32, $0.0e+00;
	v26 =	vmin.f32 v26, $8.191000000e+03;
	v13 =	vtrunc.f32 v22  }
0x282: {  	v30 =	vmin.f32 v30, $4.095000000e+03;
	v27 =	vtrunc.f32 v27;
	v22 =	vcvt.f32.s32 v33  }
0x283: {  	(erf) = vpow2.f32 v54;
	v23 =	vmin.f32 v23, $8.191000000e+03;
	v25 =	vmin.f32 v25, $4.095000000e+03  }
0x284: {  	[tilespmem:s24+$0xFFFFFFD0] =	vst v12;
	v34 =	vmin.f32 v34, $8.191000000e+03;
	v24 =	vmin.f32 v24, $4.095000000e+03;
	v12 =	vtrunc.f32 v26  }
0x285: {  	v26 =	vtrunc.f32 v30;
	vm12 =	vle.s32 v6, v9;
	v9 =	vcvt.f32.s32 v27  }
0x286: {  	v29 =	vmin.f32 v29, $8.191000000e+03;
	v23 =	vtrunc.f32 v23;
	v25 =	vtrunc.f32 v25  }
0x287: {  	[tilespmem:s24+$0xFFFFFFB0] =	vst v14;
	v32 =	vmin.f32 v32, $4.095000000e+03;
	v14 =	vtrunc.f32 v34;
	v63 =	vtrunc.f32 v24  }
0x288: {  	[tilespmem:s24+$0xFFFFFFE0] =	vst v11;
	v59 =	vmax.f32 v21, $0.0e+00;
	v11 =	vtrunc.f32 v29;
	v29 =	vtrunc.f32 v32  }
0x289: {  	v35 =	vmin.f32 v59, $8.191000000e+03;
	v27 =	vcvt.f32.s32 v12;
	v12 =	vcvt.f32.s32 v26  }
0x28a: {  	vm1 =	vle.s32 v6, v7;
	v35 =	vtrunc.f32 v35;
	v18 =	vcvt.f32.s32 v23  }
0x28b: {  	[tilespmem:s24+$0xFFFFFFF0] =	vst v10;
	vm13 =	veq.s32 v4, v22;
	v10 =	vcvt.f32.s32 v25;
	v23 =	vcvt.f32.s32 v14  }
0x28c: {  	vm12 =	vmand vm9, vm12;
	v15 =	vpop (erf);
	v25 =	vcvt.f32.s32 v13;
	v26 =	vcvt.f32.s32 v11  }
0x28d: {  	v8 =	vcvt.f32.s32 v29;
	vm7 =	vle.s32 v6, v9;
	vm13 =	vmand vm13, vm15;
	v16 =	vpop (erf)  }
0x28e: {  	v24 =	vcvt.f32.s32 v35;
	vm6 =	veq.s32 v4, v27;
	vm10 =	vle.s32 v6, v12;
	v17 =	vpop (erf)  }
0x28f: {  	p1 =	slt.u32 s23, $0x4D80;
	v14 =	vmul.f32 v15, v5;
	vm2 =	veq.s32 v4, v18;
	vm8 =	vle.s32 v6, v10;
	v20 =	vpop (erf)  }
.Ltmp10:
0x290: {  	v10 =	vcvt.f32.s32 v63;
	vm3 =	veq.s32 v4, v23;
	vm5 =	veq.s32 v4, v25;
	v21 =	vpop (erf);
	(pc) =	sbr.rel @p1 .LBB2_23-.Ltmp10, $4  }
0x291: {  	vm11 =	veq.s32 v4, v26;
	v12 =	vmul.f32 v16, v5;
	vm14 =	vle.s32 v6, v8;
	v60 =	vpop (erf)  }
0x292: {  	vm0 =	veq.s32 v4, v24;
	v13 =	vmul.f32 v17, v5;
	v11 =	vmul.f32 v20, v5;
	v61 =	vpop (erf)  }
0x293: {  	vm4 =	vle.s32 v6, v10;
	v10 =	vmul.f32 v21, v5;
	v9 =	vmul.f32 v60, v5;
	v38 =	vpop (erf)  }
0x294: {  	s26 =	sadd.s32 $0xA0, s26;
	s24 =	smov.u32 s25;
	vm2 =	vmand vm2, vm8;
	v8 =	vmul.f32 v61, v5;
	v7 =	vmul.f32 v38, v5  }
0x295: {  	vm0 =	vmand vm0, vm1;
	vm1 =	vmand vm3, vm4  }
0x296: {  	vm3 =	vmand vm5, vm7;
	vm15 =	vlt.s32 v4, v18;
	vm5 =	vmand vm6, vm10  }
0x297: {  	vm6 =	vmand vm11, vm14;
	vm9 =	vlt.s32 v4, v19;
	vm2 =	vmor vm15, vm2  }
0x298: {  	vm10 =	vlt.s32 v4, v22;
	vm7 =	vmor vm9, vm12;
	v14 =	vnsel vm2, $0x0, v14  }
0x299: {  	vm11 =	vlt.s32 v4, v24;
	vm4 =	vmor vm10, vm13;
	v12 =	vnsel vm7, $0x0, v12;
	[tilespmem:s24+$0xFFFFFFB0] =	vst v14  }
0x29a: {  	vm12 =	vlt.s32 v4, v23;
	vm0 =	vmor vm11, vm0;
	v63 =	vnsel vm4, $0x0, v13;
	[tilespmem:s24+$0xFFFFFFC0] =	vst v12  }
0x29b: {  	vm13 =	vlt.s32 v4, v25;
	vm1 =	vmor vm12, vm1;
	v11 =	vnsel vm0, $0x0, v11;
	[tilespmem:s24+$0xFFFFFFD0] =	vst v63  }
0x29c: {  	vm14 =	vlt.s32 v4, v27;
	p1 =	sne.s32 s20, $0x18;
	vm2 =	vmor vm13, vm3;
	[tilespmem:s24+$0xFFFFFFE0] =	vst v11;
	v10 =	vnsel vm1, $0x0, v10  }
.Ltmp11:
0x29d: {  	vm15 =	vlt.s32 v4, v26;
	vm0 =	vmor vm14, vm5;
	v9 =	vnsel vm2, $0x0, v9;
	[tilespmem:s24+$0xFFFFFFF0] =	vst v10;
	(pc) =	sbr.rel @p1 .LBB2_26-.Ltmp11, $4  }
0x29e: {  	s1 =	sadd.s32 s3, s22;
	vm1 =	vmor vm15, vm6;
	v8 =	vnsel vm0, $0x0, v8;
	[tilespmem:s24+$0x0] =	vst v9  }
0x29f: {  	s1 =	sshrl.u32 s1, $0x3;
	[tilespmem:s24+$0x10] =	vst v8;
	v7 =	vnsel vm1, $0x0, v7  }
0x2a0: {  	s1 =	sadd.s32 s5, s1;
	[tilespmem:s24+$0x20] =	vst v7  }
0x2a1: {  	[hbm4b:s1+s2] =	stream.linear.scatter [tilespmem:s15], [sflag:$0x3], $0x4E20, $0x38;
	[tilespmem:$0x16A00] =	vst v63  }
.Ltmp12:
0x2a2: {  	(pc) =	sbr.rel .LBB2_27-.Ltmp12, $4  }
0x2a3: {  	_ = 	snop  }
0x2a4: {  	_ =	swait.ge [sflag:s13], $0x4E20  }
0x2a5: {  	[sflag:s13] =	ssyncset.done $0x0  }
0x2a6: {  	[sflag:s13] =	ssyncadd.s32 $0xFFFFB1E0  }
.LBB2_26:
0x2a7: {  	s1 =	sadd.s32 s22, s8  }
0x2a8: {  	s1 =	sshrl.u32 s1, $0x3  }
.Ltmp13:
0x2a9: {  	s1 =	sadd.s32 s4, s1;
	(pc) =	sbr.rel @p0 .LBB2_28-.Ltmp13, $4  }
0x2aa: {  	[tilespmem:s2], [sflag:$0x1] =	stream.linear.gather [hbm4b:s1+s2], $0x4E20, $0x38;
	[tilespmem:$0x16A00] =	vst v63  }
0x2ab: {  	_ =	swait.ge [sflag:s13], $0x4E20  }
0x2ac: {  	[sflag:s13] =	ssyncset.done $0x0  }
0x2ad: {  	[sflag:s13] =	ssyncadd.s32 $0xFFFFB1E0  }
.LBB2_27:
0x2ae: {  	_ =	swait.ge [sflag:s16], $0x4E20  }
0x2af: {  	[sflag:s16] =	ssyncset.done $0x0  }
0x2b0: {  	[sflag:s16] =	ssyncadd.s32 $0xFFFFB1E0  }
.LBB2_28:
0x2b1: {  	s1 =	simm.s32 $0x4ED0  }
0x2b2: {  	v7 =	vld [tilespmem:s1+$0x40]  }
0x2b3: {  	v8 =	vld [tilespmem:s1+$0xFFFFFFB0]  }
0x2b4: {  	v9 =	vld [tilespmem:s1+$0xFFFFFFC0]  }
0x2b5: {  	v10 =	vld [tilespmem:s1+$0xFFFFFFD0]  }
0x2b6: {  	v11 =	vld [tilespmem:s1+$0xFFFFFFE0]  }
0x2b7: {  	s22 =	simm.s32 $0x0;
	v21 =	vld [tilespmem:s1+$0xFFFFFFF0]  }
0x2b8: {  	s23 =	sand.u32 $0x7FE0, s22;
	v24 =	vld [tilespmem:s1+$0x10];
	v13 =	vadd.f32 $1.600000000e+01, v7  }
0x2b9: {  	v12 =	vld [tilespmem:s23+$0x4F00];
	v14 =	vmul.f32 $1.442695020e+00, v8;
	v15 =	vadd.f32 $1.600000000e+01, v8;
	v16 =	vsub.f32 v7, v3  }
0x2ba: {  	v8 =	vsub.f32 v8, v3;
	v17 =	vmul.f32 $1.442695020e+00, v9;
	v18 =	vadd.f32 $1.600000000e+01, v9  }
0x2bb: {  	v19 =	vmul.f32 $1.442695020e+00, v10;
	v20 =	vmul.f32 $1.442695020e+00, v11;
	v9 =	vsub.f32 v9, v3  }
0x2bc: {  	v7 =	vmul.f32 $1.442695020e+00, v7;
	v23 =	vadd.f32 $1.600000000e+01, v10;
	v10 =	vsub.f32 v10, v3  }
0x2bd: {  	v25 =	vmul.f32 $1.442695020e+00, v21;
	v26 =	vmul.f32 $1.442695020e+00, v24;
	v28 =	vadd.f32 $1.600000000e+01, v11  }
0x2be: {  	v11 =	vsub.f32 v11, v3;
	v22 =	vmul.f32 $1.442695020e+00, v12;
	v13 =	vmul.f32 $2.560000000e+02, v13  }
0x2bf: {  	v29 =	vadd.f32 $1.600000000e+01, v21;
	v16 =	vmul.f32 $1.048576000e+06, v16;
	(erf) = vpow2.f32 v7  }
0x2c0: {  	v21 =	vsub.f32 v21, v3;
	v15 =	vmul.f32 $2.560000000e+02, v15;
	v8 =	vmul.f32 $1.048576000e+06, v8  }
0x2c1: {  	v7 =	vadd.f32 $1.600000000e+01, v12;
	v9 =	vmul.f32 $1.048576000e+06, v9;
	v10 =	vmul.f32 $1.048576000e+06, v10  }
0x2c2: {  	v12 =	vsub.f32 v12, v3;
	v11 =	vmul.f32 $1.048576000e+06, v11;
	v21 =	vmul.f32 $1.048576000e+06, v21  }
0x2c3: {  	(erf) = vpow2.f32 v22;
	v13 =	vmax.f32 v13, $0.0e+00;
	v7 =	vmul.f32 $2.560000000e+02, v7  }
0x2c4: {  	v16 =	vmax.f32 v16, $0.0e+00;
	v12 =	vmul.f32 $1.048576000e+06, v12;
	(erf) = vpow2.f32 v14  }
0x2c5: {  	v15 =	vmax.f32 v15, $0.0e+00;
	v8 =	vmax.f32 v8, $0.0e+00;
	v9 =	vmax.f32 v9, $0.0e+00  }
0x2c6: {  	v10 =	vmax.f32 v10, $0.0e+00;
	v11 =	vmax.f32 v11, $0.0e+00;
	v21 =	vmax.f32 v21, $0.0e+00  }
0x2c7: {  	v13 =	vmin.f32 v13, $8.191000000e+03;
	v16 =	vmin.f32 v16, $4.095000000e+03;
	(erf) = vpow2.f32 v17  }
0x2c8: {  	v17 =	vadd.f32 $1.600000000e+01, v24;
	v15 =	vmin.f32 v15, $8.191000000e+03;
	v8 =	vmin.f32 v8, $4.095000000e+03  }
0x2c9: {  	v9 =	vmin.f32 v9, $4.095000000e+03;
	v13 =	vtrunc.f32 v13;
	v16 =	vtrunc.f32 v16  }
0x2ca: {  	v10 =	vmin.f32 v10, $4.095000000e+03;
	(erf) = vpow2.f32 v19;
	v15 =	vtrunc.f32 v15  }
0x2cb: {  	v11 =	vmin.f32 v11, $4.095000000e+03;
	v8 =	vtrunc.f32 v8;
	v9 =	vtrunc.f32 v9  }
0x2cc: {  	v21 =	vmin.f32 v21, $4.095000000e+03;
	v10 =	vtrunc.f32 v10;
	v11 =	vtrunc.f32 v11  }
0x2cd: {  	v22 =	vld [tilespmem:s1+$0x0];
	v24 =	vsub.f32 v24, v3;
	v21 =	vtrunc.f32 v21;
	v13 =	vcvt.f32.s32 v13  }
0x2ce: {  	v7 =	vmax.f32 v7, $0.0e+00;
	v16 =	vcvt.f32.s32 v16;
	(erf) = vpow2.f32 v20  }
0x2cf: {  	v12 =	vmax.f32 v12, $0.0e+00;
	v20 =	vmul.f32 $2.560000000e+02, v28;
	v17 =	vmul.f32 $2.560000000e+02, v17  }
0x2d0: {  	v7 =	vmin.f32 v7, $8.191000000e+03;
	v24 =	vmul.f32 $1.048576000e+06, v24;
	v8 =	vcvt.f32.s32 v8  }
0x2d1: {  	v12 =	vmin.f32 v12, $4.095000000e+03;
	v9 =	vcvt.f32.s32 v9;
	v10 =	vcvt.f32.s32 v10  }
0x2d2: {  	v7 =	vtrunc.f32 v7;
	v12 =	vtrunc.f32 v12;
	v14 =	vadd.f32 $1.600000000e+01, v22  }
0x2d3: {  	(erf) = vpow2.f32 v25;
	vm0 =	vlt.s32 v4, v13;
	vm1 =	veq.s32 v4, v13  }
0x2d4: {  	vm2 =	vle.s32 v6, v16;
	v7 =	vcvt.f32.s32 v7;
	v12 =	vcvt.f32.s32 v12  }
0x2d5: {  	v16 =	vmul.f32 $1.442695020e+00, v22;
	v22 =	vsub.f32 v22, v3;
	v20 =	vmax.f32 v20, $0.0e+00  }
0x2d6: {  	v17 =	vmax.f32 v17, $0.0e+00;
	v24 =	vmax.f32 v24, $0.0e+00;
	vm12 =	vle.s32 v6, v8  }
0x2d7: {  	v8 =	vcvt.f32.s32 v11;
	v11 =	vcvt.f32.s32 v21;
	vm9 =	vle.s32 v6, v9  }
0x2d8: {  	vm15 =	vle.s32 v6, v10;
	vm1 =	vmand vm1, vm2;
	v14 =	vmul.f32 $2.560000000e+02, v14  }
0x2d9: {  	v20 =	vmin.f32 v20, $8.191000000e+03;
	v17 =	vmin.f32 v17, $8.191000000e+03;
	vm0 =	vmor vm0, vm1  }
0x2da: {  	vm2 =	veq.s32 v4, v7;
	(erf) = vpow2.f32 v16;
	v16 =	vmul.f32 $2.560000000e+02, v18  }
0x2db: {  	vm3 =	vle.s32 v6, v12;
	v18 =	vmul.f32 $2.560000000e+02, v23;
	v23 =	vmul.f32 $2.560000000e+02, v29  }
0x2dc: {  	v13 =	vld [tilespmem:s1+$0x20];
	v27 =	vpop (erf);
	vm1 =	vlt.s32 v4, v7;
	v22 =	vmul.f32 $1.048576000e+06, v22;
	v20 =	vtrunc.f32 v20  }
0x2dd: {  	v17 =	vtrunc.f32 v17;
	vm4 =	vle.s32 v6, v11;
	v12 =	vmul.f32 v27, v5  }
0x2de: {  	v27 =	vpop (erf);
	vm2 =	vmand vm2, vm3;
	(erf) = vpow2.f32 v26;
	v14 =	vmax.f32 v14, $0.0e+00  }
0x2df: {  	v7 =	vmul.f32 v27, v5;
	v16 =	vmax.f32 v16, $0.0e+00;
	v18 =	vmax.f32 v18, $0.0e+00  }
0x2e0: {  	v23 =	vmax.f32 v23, $0.0e+00;
	v22 =	vmax.f32 v22, $0.0e+00;
	v14 =	vmin.f32 v14, $8.191000000e+03  }
0x2e1: {  	vm1 =	vmor vm1, vm2;
	v27 =	vmul.f32 $1.442695020e+00, v13;
	v19 =	vadd.f32 $1.600000000e+01, v13  }
0x2e2: {  	v13 =	vsub.f32 v13, v3;
	v16 =	vmin.f32 v16, $8.191000000e+03;
	v18 =	vmin.f32 v18, $8.191000000e+03  }
0x2e3: {  	v23 =	vmin.f32 v23, $8.191000000e+03;
	v14 =	vtrunc.f32 v14;
	v16 =	vtrunc.f32 v16  }
0x2e4: {  	v22 =	vmin.f32 v22, $4.095000000e+03;
	v25 =	vtrunc.f32 v18;
	v23 =	vtrunc.f32 v23  }
0x2e5: {  	v18 =	vmin.f32 v24, $4.095000000e+03;
	v26 =	vtrunc.f32 v22;
	v24 =	vcvt.f32.s32 v20  }
0x2e6: {  	v30 =	vnsel vm0, $0x0, v12;
	(erf) = vpow2.f32 v27;
	v19 =	vmul.f32 $2.560000000e+02, v19  }
0x2e7: {  	v7 =	vnsel vm1, $0x0, v7;
	v13 =	vmul.f32 $1.048576000e+06, v13;
	v28 =	vtrunc.f32 v18  }
0x2e8: {  	vm1 =	vle.s32 v6, v8;
	v18 =	vcvt.f32.s32 v15;
	v22 =	vcvt.f32.s32 v25  }
0x2e9: {  	v23 =	vcvt.f32.s32 v23;
	v25 =	vcvt.f32.s32 v14;
	v13 =	vmax.f32 v13, $0.0e+00  }
0x2ea: {  	v9 =	vcvt.f32.s32 v26;
	v27 =	vcvt.f32.s32 v17;
	v13 =	vmin.f32 v13, $4.095000000e+03  }
0x2eb: {  	v14 =	vcvt.f32.s32 v28;
	vm0 =	veq.s32 v4, v24;
	v13 =	vtrunc.f32 v13  }
0x2ec: {  	v12 =	vpop (erf);
	v19 =	vmax.f32 v19, $0.0e+00;
	vm2 =	veq.s32 v4, v18;
	vm13 =	veq.s32 v4, v22  }
0x2ed: {  	v15 =	vpop (erf);
	vm3 =	veq.s32 v4, v23;
	vm5 =	veq.s32 v4, v25;
	v19 =	vmin.f32 v19, $8.191000000e+03  }
0x2ee: {  	vm10 =	vle.s32 v6, v14;
	v14 =	vmul.f32 v12, v5;
	v10 =	vcvt.f32.s32 v13;
	v13 =	vpop (erf)  }
0x2ef: {  	vm7 =	vle.s32 v6, v9;
	v29 =	vtrunc.f32 v19;
	v19 =	vcvt.f32.s32 v16;
	v8 =	vpop (erf)  }
0x2f0: {  	vm6 =	veq.s32 v4, v27;
	v12 =	vmul.f32 v15, v5;
	v26 =	vcvt.f32.s32 v29;
	v9 =	vpop (erf)  }
0x2f1: {  	vm2 =	vmand vm2, vm12;
	vm13 =	vmand vm13, vm15;
	vm8 =	veq.s32 v4, v19;
	v16 =	vpop (erf)  }
0x2f2: {  	s24 =	simm.s32 $0xEBD0;
	vm11 =	veq.s32 v4, v26;
	v13 =	vmul.f32 v13, v5;
	v11 =	vmul.f32 v8, v5;
	v15 =	vpop (erf)  }
0x2f3: {  	[tilespmem:s24+$0x40] =	vst v30;
	vm14 =	vle.s32 v6, v10;
	v10 =	vmul.f32 v9, v5;
	v9 =	vmul.f32 v16, v5;
	v17 =	vpop (erf)  }
0x2f4: {  	s25 =	simm.s32 $0x4F70;
	[tilespmem:s23+$0xEC00] =	vst v7;
	s23 =	simm.s32 $0xEBD0;
	vm12 =	vmand vm8, vm9;
	v8 =	vmul.f32 v15, v5;
	v7 =	vmul.f32 v17, v5  }
.LBB2_29:
0x2f5: {  	vm15 =	vmand vm0, vm1;
	vm9 =	vmand vm3, vm4;
	vm8 =	vmand vm5, vm7  }
0x2f6: {  	vm3 =	vlt.s32 v4, v18;
	vm1 =	vmand vm6, vm10;
	vm0 =	vmand vm11, vm14  }
0x2f7: {  	v17 =	vimm.s32 $0x0;
	vm4 =	vlt.s32 v4, v19;
	vm14 =	vlt.s32 v4, v22  }
0x2f8: {  	v15 =	vld [tilespmem:s25+$0x40];
	vm11 =	vlt.s32 v4, v23;
	vm10 =	vlt.s32 v4, v25;
	vm6 =	vlt.s32 v4, v27  }
0x2f9: {  	v16 =	vld [tilespmem:s25+$0xFFFFFFB0];
	vm7 =	vlt.s32 v4, v26;
	v17 =	vsel vm0, $0xFFFFFFFF, v17;
	vm0 =	vlt.s32 v4, v24  }
0x2fa: {  	v18 =	vld [tilespmem:s25+$0xFFFFFFD0];
	vm5 =	vmor vm3, vm2;
	vm3 =	vmor vm4, vm12;
	vm4 =	vmor vm14, vm13  }
0x2fb: {  	v19 =	vld [tilespmem:s25+$0xFFFFFFE0];
	vm9 =	vmor vm11, vm9;
	vm8 =	vmor vm10, vm8;
	vm1 =	vmor vm6, vm1  }
0x2fc: {  	v32 =	vld [tilespmem:s25+$0x20];
	vm2 =	vmor vm0, vm15;
	v14 =	vnsel vm5, $0x0, v14;
	v12 =	vnsel vm3, $0x0, v12  }
0x2fd: {  	s22 =	sadd.s32 $0xA0, s22;
	v24 =	vld [tilespmem:s25+$0xFFFFFFF0];
	[tilespmem:$0x1FFE0] =	vst v17;
	v10 =	vnsel vm9, $0x0, v10;
	v9 =	vnsel vm8, $0x0, v9;
	v8 =	vnsel vm1, $0x0, v8  }
0x2fe: {  	s26 =	sand.u32 $0x7FE0, s22;
	v17 =	vld [tilespmem:s25+$0xFFFFFFC0];
	[tilespmem:s23+$0xFFFFFFC0] =	vst v12;
	v12 =	vnsel vm4, $0x0, v13;
	v11 =	vnsel vm2, $0x0, v11;
	v21 =	vadd.f32 $1.600000000e+01, v15  }
0x2ff: {  	v20 =	vld [tilespmem:s26+$0x4F00];
	v22 =	vmul.f32 $1.442695020e+00, v16;
	v23 =	vadd.f32 $1.600000000e+01, v16;
	v25 =	vsub.f32 v15, v3  }
0x300: {  	v16 =	vsub.f32 v16, v3;
	v29 =	vmul.f32 $1.442695020e+00, v18;
	v31 =	vmul.f32 $1.442695020e+00, v19  }
0x301: {  	v15 =	vmul.f32 $1.442695020e+00, v15;
	v52 =	vadd.f32 $1.600000000e+01, v18;
	v18 =	vsub.f32 v18, v3  }
0x302: {  	v54 =	vmul.f32 $1.442695020e+00, v32;
	v36 =	vadd.f32 $1.600000000e+01, v19;
	v34 =	vmul.f32 $1.442695020e+00, v24  }
0x303: {  	v19 =	vsub.f32 v19, v3;
	v26 =	vmul.f32 $1.442695020e+00, v17;
	v21 =	vmul.f32 $2.560000000e+02, v21  }
0x304: {  	v28 =	vadd.f32 $1.600000000e+01, v17;
	v25 =	vmul.f32 $1.048576000e+06, v25;
	v33 =	vmul.f32 $1.442695020e+00, v20  }
0x305: {  	(erf) = vpow2.f32 v15;
	v15 =	vadd.f32 $1.600000000e+01, v20;
	v16 =	vmul.f32 $1.048576000e+06, v16  }
0x306: {  	v20 =	vsub.f32 v20, v3;
	v56 =	vmul.f32 $2.560000000e+02, v52;
	v18 =	vmul.f32 $1.048576000e+06, v18  }
0x307: {  	v17 =	vsub.f32 v17, v3;
	v19 =	vmul.f32 $1.048576000e+06, v19;
	(erf) = vpow2.f32 v33  }
0x308: {  	v21 =	vmax.f32 v21, $0.0e+00;
	v15 =	vmul.f32 $2.560000000e+02, v15;
	v20 =	vmul.f32 $1.048576000e+06, v20  }
0x309: {  	v25 =	vmax.f32 v25, $0.0e+00;
	v55 =	vmul.f32 $2.560000000e+02, v28;
	v37 =	vmul.f32 $1.048576000e+06, v17  }
0x30a: {  	v33 =	vmax.f32 v56, $0.0e+00;
	v18 =	vmax.f32 v18, $0.0e+00;
	v19 =	vmax.f32 v19, $0.0e+00  }
0x30b: {  	v21 =	vmin.f32 v21, $8.191000000e+03;
	v25 =	vmin.f32 v25, $4.095000000e+03;
	v33 =	vmin.f32 v33, $8.191000000e+03  }
0x30c: {  	v18 =	vmin.f32 v18, $4.095000000e+03;
	v19 =	vmin.f32 v19, $4.095000000e+03;
	v21 =	vtrunc.f32 v21  }
0x30d: {  	v25 =	vtrunc.f32 v25;
	v15 =	vmax.f32 v15, $0.0e+00;
	v20 =	vmax.f32 v20, $0.0e+00  }
0x30e: {  	v27 =	vld [tilespmem:s25+$0x0];
	v28 =	vmax.f32 v55, $0.0e+00;
	v33 =	vtrunc.f32 v33;
	v62 =	vtrunc.f32 v18  }
0x30f: {  	v30 =	vld [tilespmem:s25+$0x10];
	v57 =	vmax.f32 v37, $0.0e+00;
	v40 =	vtrunc.f32 v19;
	v21 =	vcvt.f32.s32 v21  }
0x310: {  	v25 =	vcvt.f32.s32 v25;
	v15 =	vmin.f32 v15, $8.191000000e+03;
	v20 =	vmin.f32 v20, $4.095000000e+03  }
0x311: {  	[tilespmem:s23+$0x10] =	vst v8;
	v28 =	vmin.f32 v28, $8.191000000e+03;
	v8 =	vcvt.f32.s32 v62;
	v15 =	vtrunc.f32 v15  }
0x312: {  	v20 =	vtrunc.f32 v20;
	v28 =	vtrunc.f32 v28;
	vm0 =	vlt.s32 v4, v21  }
0x313: {  	vm12 =	veq.s32 v4, v21;
	v15 =	vcvt.f32.s32 v15;
	v20 =	vcvt.f32.s32 v20  }
0x314: {  	vm13 =	vle.s32 v6, v25;
	v21 =	vmul.f32 $1.442695020e+00, v27;
	v25 =	vmul.f32 $1.442695020e+00, v30  }
0x315: {  	v19 =	vcvt.f32.s32 v28;
	vm15 =	vle.s32 v6, v8;
	vm12 =	vmand vm12, vm13  }
0x316: {  	v39 =	vld [tilespmem:$0x1FFE0];
	vm0 =	vmor vm0, vm12;
	vm12 =	veq.s32 v4, v15;
	vm13 =	vle.s32 v6, v20  }
0x317: {  	v35 =	vpop (erf);
	vm14 =	vlt.s32 v4, v15;
	vm9 =	veq.s32 v4, v19;
	vm12 =	vmand vm12, vm13  }
0x318: {  	v20 =	vmul.f32 v35, v5;
	v53 =	vpop (erf);
	vm12 =	vmor vm14, vm12;
	(erf) = vpow2.f32 v22  }
0x319: {  	v22 =	vadd.f32 $1.600000000e+01, v27;
	v27 =	vsub.f32 v27, v3;
	v15 =	vmul.f32 v53, v5  }
0x31a: {  	s24 =	sadd.s32 $0xA0, s24;
	v20 =	vnsel vm0, $0x0, v20;
	(erf) = vpow2.f32 v26;
	v26 =	vadd.f32 $1.600000000e+01, v30  }
0x31b: {  	v30 =	vsub.f32 v30, v3;
	vm0 =	vnez.u8 v39;
	[tilespmem:s24+$0x40] =	vst v20;
	v20 =	vadd.f32 $1.600000000e+01, v24  }
0x31c: {  	v24 =	vsub.f32 v24, v3;
	(erf) = vpow2.f32 v29;
	v29 =	vadd.f32 $1.600000000e+01, v32  }
0x31d: {  	v32 =	vsub.f32 v32, v3;
	v22 =	vmul.f32 $2.560000000e+02, v22;
	v27 =	vmul.f32 $1.048576000e+06, v27  }
0x31e: {  	v15 =	vnsel vm12, $0x0, v15;
	(erf) = vpow2.f32 v31;
	v26 =	vmul.f32 $2.560000000e+02, v26  }
0x31f: {  	vm0 =	vmor vm7, vm0;
	v30 =	vmul.f32 $1.048576000e+06, v30;
	[tilespmem:s26+$0xEC00] =	vst v15;
	v15 =	vmul.f32 $2.560000000e+02, v23  }
0x320: {  	v31 =	vmin.f32 v57, $4.095000000e+03;
	(erf) = vpow2.f32 v34;
	v58 =	vmul.f32 $2.560000000e+02, v20  }
0x321: {  	v7 =	vnsel vm0, $0x0, v7;
	v24 =	vmul.f32 $1.048576000e+06, v24;
	v29 =	vmul.f32 $2.560000000e+02, v29  }
0x322: {  	v32 =	vmul.f32 $1.048576000e+06, v32;
	v22 =	vmax.f32 v22, $0.0e+00;
	v31 =	vtrunc.f32 v31  }
0x323: {  	v27 =	vmax.f32 v27, $0.0e+00;
	[tilespmem:s23+$0x20] =	vst v7;
	v7 =	vcvt.f32.s32 v40;
	(erf) = vpow2.f32 v21  }
0x324: {  	v21 =	vmul.f32 $2.560000000e+02, v36;
	v26 =	vmax.f32 v26, $0.0e+00;
	v30 =	vmax.f32 v30, $0.0e+00  }
0x325: {  	[tilespmem:s23+$0x0] =	vst v9;
	v22 =	vmin.f32 v22, $8.191000000e+03;
	v27 =	vmin.f32 v27, $4.095000000e+03;
	v9 =	vcvt.f32.s32 v31  }
0x326: {  	v23 =	vmax.f32 v15, $0.0e+00;
	(erf) = vpow2.f32 v25;
	v25 =	vmax.f32 v16, $0.0e+00  }
0x327: {  	v34 =	vmax.f32 v58, $0.0e+00;
	v24 =	vmax.f32 v24, $0.0e+00;
	v29 =	vmax.f32 v29, $0.0e+00  }
0x328: {  	v32 =	vmax.f32 v32, $0.0e+00;
	v26 =	vmin.f32 v26, $8.191000000e+03;
	v13 =	vtrunc.f32 v22  }
0x329: {  	v30 =	vmin.f32 v30, $4.095000000e+03;
	v27 =	vtrunc.f32 v27;
	v22 =	vcvt.f32.s32 v33  }
0x32a: {  	(erf) = vpow2.f32 v54;
	v23 =	vmin.f32 v23, $8.191000000e+03;
	v25 =	vmin.f32 v25, $4.095000000e+03  }
0x32b: {  	[tilespmem:s23+$0xFFFFFFD0] =	vst v12;
	v34 =	vmin.f32 v34, $8.191000000e+03;
	v24 =	vmin.f32 v24, $4.095000000e+03;
	v12 =	vtrunc.f32 v26  }
0x32c: {  	v26 =	vtrunc.f32 v30;
	vm12 =	vle.s32 v6, v9;
	v9 =	vcvt.f32.s32 v27  }
0x32d: {  	v29 =	vmin.f32 v29, $8.191000000e+03;
	v23 =	vtrunc.f32 v23;
	v25 =	vtrunc.f32 v25  }
0x32e: {  	[tilespmem:s23+$0xFFFFFFB0] =	vst v14;
	v32 =	vmin.f32 v32, $4.095000000e+03;
	v14 =	vtrunc.f32 v34;
	v63 =	vtrunc.f32 v24  }
0x32f: {  	[tilespmem:s23+$0xFFFFFFE0] =	vst v11;
	v59 =	vmax.f32 v21, $0.0e+00;
	v11 =	vtrunc.f32 v29;
	v29 =	vtrunc.f32 v32  }
0x330: {  	v35 =	vmin.f32 v59, $8.191000000e+03;
	v27 =	vcvt.f32.s32 v12;
	v12 =	vcvt.f32.s32 v26  }
0x331: {  	vm1 =	vle.s32 v6, v7;
	v35 =	vtrunc.f32 v35;
	v18 =	vcvt.f32.s32 v23  }
0x332: {  	[tilespmem:s23+$0xFFFFFFF0] =	vst v10;
	vm13 =	veq.s32 v4, v22;
	v10 =	vcvt.f32.s32 v25;
	v23 =	vcvt.f32.s32 v14  }
0x333: {  	vm12 =	vmand vm9, vm12;
	v15 =	vpop (erf);
	v25 =	vcvt.f32.s32 v13;
	v26 =	vcvt.f32.s32 v11  }
0x334: {  	v8 =	vcvt.f32.s32 v29;
	vm7 =	vle.s32 v6, v9;
	vm13 =	vmand vm13, vm15;
	v16 =	vpop (erf)  }
0x335: {  	v24 =	vcvt.f32.s32 v35;
	vm6 =	veq.s32 v4, v27;
	vm10 =	vle.s32 v6, v12;
	v17 =	vpop (erf)  }
0x336: {  	p0 =	slt.u32 s22, $0x4D80;
	v14 =	vmul.f32 v15, v5;
	vm2 =	veq.s32 v4, v18;
	vm8 =	vle.s32 v6, v10;
	v20 =	vpop (erf)  }
.Ltmp14:
0x337: {  	v10 =	vcvt.f32.s32 v63;
	vm3 =	veq.s32 v4, v23;
	vm5 =	veq.s32 v4, v25;
	v21 =	vpop (erf);
	(pc) =	sbr.rel @p0 .LBB2_29-.Ltmp14, $4  }
0x338: {  	vm11 =	veq.s32 v4, v26;
	v12 =	vmul.f32 v16, v5;
	vm14 =	vle.s32 v6, v8;
	v60 =	vpop (erf)  }
0x339: {  	vm0 =	veq.s32 v4, v24;
	v13 =	vmul.f32 v17, v5;
	v11 =	vmul.f32 v20, v5;
	v61 =	vpop (erf)  }
0x33a: {  	vm4 =	vle.s32 v6, v10;
	v10 =	vmul.f32 v21, v5;
	v9 =	vmul.f32 v60, v5;
	v38 =	vpop (erf)  }
0x33b: {  	s25 =	sadd.s32 $0xA0, s25;
	s23 =	smov.u32 s24;
	vm2 =	vmand vm2, vm8;
	v8 =	vmul.f32 v61, v5;
	v7 =	vmul.f32 v38, v5  }
0x33c: {  	vm0 =	vmand vm0, vm1;
	vm1 =	vmand vm3, vm4  }
0x33d: {  	vm3 =	vmand vm5, vm7;
	vm15 =	vlt.s32 v4, v18;
	vm5 =	vmand vm6, vm10  }
0x33e: {  	vm6 =	vmand vm11, vm14;
	vm9 =	vlt.s32 v4, v19;
	vm2 =	vmor vm15, vm2  }
0x33f: {  	vm10 =	vlt.s32 v4, v22;
	vm7 =	vmor vm9, vm12;
	v14 =	vnsel vm2, $0x0, v14  }
0x340: {  	vm11 =	vlt.s32 v4, v24;
	vm4 =	vmor vm10, vm13;
	v12 =	vnsel vm7, $0x0, v12;
	[tilespmem:s23+$0xFFFFFFB0] =	vst v14  }
0x341: {  	vm12 =	vlt.s32 v4, v23;
	vm0 =	vmor vm11, vm0;
	v63 =	vnsel vm4, $0x0, v13;
	[tilespmem:s23+$0xFFFFFFC0] =	vst v12  }
0x342: {  	s20 =	sadd.s32 $0x1, s20;
	vm13 =	vlt.s32 v4, v25;
	vm1 =	vmor vm12, vm1;
	v11 =	vnsel vm0, $0x0, v11;
	[tilespmem:s23+$0xFFFFFFD0] =	vst v63  }
0x343: {  	vm14 =	vlt.s32 v4, v27;
	p0 =	sne.s32 s20, $0x19;
	vm2 =	vmor vm13, vm3;
	[tilespmem:s23+$0xFFFFFFE0] =	vst v11;
	v10 =	vnsel vm1, $0x0, v10  }
.Ltmp15:
0x344: {  	vm15 =	vlt.s32 v4, v26;
	vm0 =	vmor vm14, vm5;
	v9 =	vnsel vm2, $0x0, v9;
	[tilespmem:s23+$0xFFFFFFF0] =	vst v10;
	(pc) =	sbr.rel @p0 .LBB2_22-.Ltmp15, $4  }
0x345: {  	vm1 =	vmor vm15, vm6;
	v8 =	vnsel vm0, $0x0, v8;
	[tilespmem:s23+$0x0] =	vst v9  }
0x346: {  	[tilespmem:s23+$0x10] =	vst v8;
	v7 =	vnsel vm1, $0x0, v7  }
0x347: {  	s1 =	sadd.s32 s5, s21;
	[tilespmem:s23+$0x20] =	vst v7  }
0x348: {  	[hbm4b:s1+s2] =	stream.linear.scatter [tilespmem:s17], [sflag:$0x4], $0x4E20, $0x38;
	[tilespmem:$0x16A00] =	vst v63  }
0x349: {  	s19 =	sadd.s32 $0x1, s19  }
0x34a: {  	_ =	swait.ge [sflag:s18], $0x4E20;
	p0 =	sne.s32 s19, s9  }
.Ltmp16:
0x34b: {  	[sflag:s18] =	ssyncset.done $0x0;
	(pc) =	sbr.rel @p0 .LBB2_1-.Ltmp16, $4  }
0x34c: {  	[sflag:s18] =	ssyncadd.s32 $0xFFFFB1E0  }
0x34d: {  	_ =	swait.ge [sflag:s16], $0x4E20  }
0x34e: {  	[sflag:s16] =	ssyncset.done $0x0  }
0x34f: {  	[sflag:s16] =	ssyncadd.s32 $0xFFFFB1E0  }
0x350: {  	_ =	sfence.sel $0x180000  }
0x351: {  	[bflag:$0x0] =	sbarrier.arrive $0xFFFF  }
0x352: {  	_ =	strace $0x90000047  }
0x353: {  	[bflag:$0x2] =	sbarrier.arrive $0xFFFF  }
0x354: {  	p0 =	sne.s32 s0, $0x0;
	s0 =	rddreg [dreg:$0x1]  }
0x355: {  	s0 =	sadd.s32 @!p0 $0x100000, s0  }
0x356: {  	[sflag:s0] =	ssyncadd.tile.s32 @!p0 $0x1;
	_ =	shalt  }
.Lfunc_end2:
_tile_overlayer_lowered:
.L_overlay_start_2:
0x357: {  	(tag) =	ssettag $0x2  }
0x358: {  	s0 =	rddreg [dreg:$0x0];
	s2 =	stileid.u32  }
0x359: {  	s1 =	rddreg [dreg:$0x1];
	p0 =	sne.s32 s2, $0x0  }
0x35a: {  	s3 =	rddreg [dreg:$0x2];
	[bflag:$0x3] =	sbarrier.arrive $0xFFFF;
	s2 =	simm.s32 @!p0 $0x1C05  }
0x35b: {  	[timem:s3], [sflag:s2] =	dma.local @!p0 [hbm:s0], s1  }
0x35c: {  	s0 =	simm.s32 @!p0 $0x5  }
0x35d: {  	_ =	swait.ge @!p0 [sflag:s0], s1  }
0x35e: {  	s1 =	ssub.s32 @!p0 $0x0, s1;
	[sflag:s0] =	ssyncset.done @!p0 $0x0  }
0x35f: {  	[sflag:s0] =	ssyncadd.s32 @!p0 s1  }
0x360: {  	[bflag:$0x3] =	sbarrier.arrive $0xFFFF  }
0x361: {  	_ =	shalt  }

</sc_bundles>
